<compile_context>
chip_gen: v7x
topology: tpu7x:2x2x1
jax: 0.10.2.dev20260603
libtpu: 0.0.44.dev20260713+nightly
codegen_flags: <defaults>
</compile_context>

<pallas_src>
import functools

import jax
import jax.numpy as jnp
from jax import lax
from jax.experimental import pallas as pl
from jax.experimental.pallas import tpu as pltpu
from jax.experimental.pallas import tpu_sc as plsc

L = 16
NC = 2
NS = 16
NW = NC * NS
CHUNK = 128


def _round_up(a, b):
    return (a + b - 1) // b * b



def _sc_mesh():
    return plsc.VectorSubcoreMesh(core_axis_name="c", subcore_axis_name="s")


def _deg_body(n_pad, nch, f, dst_hbm, ones_hbm, zer_hbm, degp_hbm,
              didx_all, ones_v, acc_sh, sem):
    c = lax.axis_index("c")
    s = lax.axis_index("s")
    wid = s * NC + c
    r_pt = n_pad // NS
    pltpu.sync_copy(zer_hbm, acc_sh.at[pl.ds(s * r_pt, r_pt)])
    pltpu.sync_copy(ones_hbm, ones_v)
    pltpu.sync_copy(dst_hbm.at[wid], didx_all)
    plsc.subcore_barrier()

    k = 4

    def gbody(g, carry):
        base = g * k
        descs = [
            pltpu.async_copy(ones_v, acc_sh.at[didx_all.at[base + b]], sem,
                             add=True)
            for b in range(k)
        ]
        for d in descs:
            d.wait()
        return carry

    lax.fori_loop(0, nch // k, gbody, 0)
    plsc.subcore_barrier()
    pltpu.sync_copy(acc_sh.at[pl.ds(s * r_pt, r_pt)],
                    degp_hbm.at[c, pl.ds(s * r_pt, r_pt)])


def _make_deg_call(n_pad, nch, f):
    return pl.kernel(
        functools.partial(_deg_body, n_pad, nch, f),
        out_type=jax.ShapeDtypeStruct((NC, n_pad, f), jnp.float32),
        mesh=_sc_mesh(),
        scratch_types=[
            pltpu.VMEM((nch, CHUNK), jnp.int32),
            pltpu.VMEM((CHUNK, f), jnp.float32),
            pltpu.VMEM_SHARED((n_pad, f), jnp.float32),
            pltpu.SemaphoreType.DMA,
        ],
    )


def _scat_body(n_pad, e_pt, f, h_hbm, src_hbm, dst_hbm, zer_hbm, parts_hbm,
               sidx, didx, rows, acc_sh, sem):
    c = lax.axis_index("c")
    s = lax.axis_index("s")
    wid = s * NC + c
    r_pt = n_pad // NS
    pltpu.sync_copy(zer_hbm, acc_sh.at[pl.ds(s * r_pt, r_pt)])
    plsc.subcore_barrier()

    base = wid * e_pt

    def ebody(j, carry):
        off = base + j * CHUNK
        pltpu.sync_copy(src_hbm.at[pl.ds(off, CHUNK)], sidx)
        pltpu.sync_copy(dst_hbm.at[pl.ds(off, CHUNK)], didx)
        pltpu.async_copy(h_hbm.at[sidx], rows, sem).wait()
        pltpu.sync_copy(rows, acc_sh.at[didx], add=True)
        return carry

    lax.fori_loop(0, e_pt // CHUNK, ebody, 0)
    plsc.subcore_barrier()
    pltpu.sync_copy(acc_sh.at[pl.ds(s * r_pt, r_pt)],
                    parts_hbm.at[c, pl.ds(s * r_pt, r_pt)])


def _make_scat_call(n_pad, e_pad, f):
    e_pt = e_pad // NW
    return pl.kernel(
        functools.partial(_scat_body, n_pad, e_pt, f),
        out_type=jax.ShapeDtypeStruct((NC, n_pad, f), jnp.float32),
        mesh=_sc_mesh(),
        scratch_types=[
            pltpu.VMEM((CHUNK,), jnp.int32),
            pltpu.VMEM((CHUNK,), jnp.int32),
            pltpu.VMEM((CHUNK, f), jnp.float32),
            pltpu.VMEM_SHARED((n_pad, f), jnp.float32),
            pltpu.SemaphoreType.DMA,
        ],
    )



def _dinv_body(degp_ref, dinv_ref):
    p = degp_ref[...]
    deg = p[0, :, 0:1] + p[1, :, 0:1] + 1.0
    dinv_ref[...] = lax.rsqrt(deg)


def _h1_body(x_ref, w_ref, dv_ref, o_ref):
    h = jnp.dot(x_ref[...], w_ref[...], preferred_element_type=jnp.float32)
    o_ref[...] = h * dv_ref[...]


def _mid_body(p_ref, h_ref, dv_ref, b_ref, w_ref, o_ref):
    acc = p_ref[0] + p_ref[1] + h_ref[...]
    x2 = jnp.maximum(acc * dv_ref[...] + b_ref[...], 0.0)
    h2 = jnp.dot(x2, w_ref[...], preferred_element_type=jnp.float32)
    o_ref[...] = h2 * dv_ref[...]


def _fin_body(num_graphs, p_ref, h_ref, dv_ref, b_ref, bt_ref, wl_ref,
              bl_ref, o_ref, pool_acc, cnt_acc):
    i = pl.program_id(0)

    @pl.when(i == 0)
    def _():
        pool_acc[...] = jnp.zeros_like(pool_acc)
        cnt_acc[...] = jnp.zeros_like(cnt_acc)

    acc = p_ref[0] + p_ref[1] + h_ref[...]
    h2 = jnp.maximum(acc * dv_ref[...] + b_ref[...], 0.0)
    gids = lax.broadcasted_iota(jnp.int32, (num_graphs, 1), 0)
    onehot = (gids == bt_ref[0:1, :]).astype(jnp.float32)
    pool_acc[...] += jnp.dot(onehot, h2, preferred_element_type=jnp.float32)
    cnt_acc[...] += jnp.sum(onehot, axis=1, keepdims=True)

    @pl.when(i == pl.num_programs(0) - 1)
    def _():
        g = pool_acc[...] / jnp.maximum(cnt_acc[...], 1.0)
        o_ref[...] = (
            jnp.dot(g, wl_ref[...], preferred_element_type=jnp.float32)
            + bl_ref[...]
        )



def kernel(x, edge_index, batch, W1, b1, W2, b2, Wlin, blin):
    n, f_in = x.shape
    e = edge_index.shape[1]
    h = W1.shape[1]
    num_graphs = 64

    n_pad = _round_up(n + 1, 512)
    e_pt = _round_up(-(-e // NW), CHUNK)
    e_pad = e_pt * NW
    nch_deg = _round_up(-(-e // (NW * CHUNK)), 4)
    e_deg = NW * nch_deg * CHUNK
    blk = n_pad // 4

    src = jnp.concatenate(
        [edge_index[0], jnp.zeros((e_pad - e,), jnp.int32)])
    dst = jnp.concatenate(
        [edge_index[1], jnp.full((e_pad - e,), n, jnp.int32)])
    dst3 = jnp.concatenate(
        [edge_index[1], jnp.full((e_deg - e,), n, jnp.int32)]
    ).reshape(NW, nch_deg, CHUNK)
    x_p = jnp.concatenate([x, jnp.zeros((n_pad - n, f_in), x.dtype)])
    batch_p = jnp.concatenate(
        [batch, jnp.full((n_pad - n,), num_graphs, jnp.int32)])
    batch2d = jnp.broadcast_to(batch_p[None, :], (8, n_pad))
    zer = jnp.zeros((n_pad // NS, h), jnp.float32)
    ones_rows = jnp.ones((CHUNK, h), jnp.float32)
    b1r = b1.reshape(1, h)
    b2r = b2.reshape(1, h)
    wl_p = jnp.pad(Wlin, ((0, 0), (0, h - Wlin.shape[1])))
    bl_p = jnp.pad(blin, (0, h - blin.shape[0])).reshape(1, h)

    degp = _make_deg_call(n_pad, nch_deg, h)(dst3, ones_rows, zer)

    dinv2 = pl.pallas_call(
        _dinv_body,
        out_shape=jax.ShapeDtypeStruct((n_pad, 1), jnp.float32),
    )(degp)

    grid = n_pad // blk
    h1p = pl.pallas_call(
        _h1_body,
        grid=(grid,),
        in_specs=[
            pl.BlockSpec((blk, f_in), lambda i: (i, 0)),
            pl.BlockSpec((f_in, h), lambda i: (0, 0)),
            pl.BlockSpec((blk, 1), lambda i: (i, 0)),
        ],
        out_specs=pl.BlockSpec((blk, h), lambda i: (i, 0)),
        out_shape=jax.ShapeDtypeStruct((n_pad, h), jnp.float32),
    )(x_p, W1, dinv2)

    scat = _make_scat_call(n_pad, e_pad, h)

    parts1 = scat(h1p, src, dst, zer)

    h2p = pl.pallas_call(
        _mid_body,
        grid=(grid,),
        in_specs=[
            pl.BlockSpec((NC, blk, h), lambda i: (0, i, 0)),
            pl.BlockSpec((blk, h), lambda i: (i, 0)),
            pl.BlockSpec((blk, 1), lambda i: (i, 0)),
            pl.BlockSpec((1, h), lambda i: (0, 0)),
            pl.BlockSpec((h, h), lambda i: (0, 0)),
        ],
        out_specs=pl.BlockSpec((blk, h), lambda i: (i, 0)),
        out_shape=jax.ShapeDtypeStruct((n_pad, h), jnp.float32),
    )(parts1, h1p, dinv2, b1r, W2)

    parts2 = scat(h2p, src, dst, zer)

    out_pad = pl.pallas_call(
        functools.partial(_fin_body, num_graphs),
        grid=(grid,),
        in_specs=[
            pl.BlockSpec((NC, blk, h), lambda i: (0, i, 0)),
            pl.BlockSpec((blk, h), lambda i: (i, 0)),
            pl.BlockSpec((blk, 1), lambda i: (i, 0)),
            pl.BlockSpec((1, h), lambda i: (0, 0)),
            pl.BlockSpec((8, blk), lambda i: (0, i)),
            pl.BlockSpec((h, h), lambda i: (0, 0)),
            pl.BlockSpec((1, h), lambda i: (0, 0)),
        ],
        out_specs=pl.BlockSpec((num_graphs, h), lambda i: (0, 0)),
        out_shape=jax.ShapeDtypeStruct((num_graphs, h), jnp.float32),
        scratch_shapes=[
            pltpu.VMEM((num_graphs, h), jnp.float32),
            pltpu.VMEM((num_graphs, 1), jnp.float32),
        ],
    )(parts2, h2p, dinv2, b2r, batch2d, wl_p, bl_p)

    return out_pad[:, : Wlin.shape[1]]

# --- scband reference (transcript-rebuilt; emitter-appended) ---
"""Pipeline reference for scband-gcn-19576460935924 (READ-ONLY COPY).

The authoritative reference and input builder live on the scoring server;
editing this copy changes nothing except your own understanding.
"""

import jax, jax.numpy as jnp
import numpy as np

N = 10000
E = 320000
F_IN = 128
H = 128
G = 64


def gcn_conv(x, edge_index, W, b):
    num_nodes = x.shape[0]
    src = edge_index[0]
    dst = edge_index[1]
    # add self-loops (GCNConv default add_self_loops=True)
    loop = jnp.arange(num_nodes, dtype=src.dtype)
    src = jnp.concatenate([src, loop])
    dst = jnp.concatenate([dst, loop])
    # symmetric normalization D^{-1/2} (A+I) D^{-1/2}
    deg = jnp.zeros((num_nodes,), dtype=x.dtype).at[dst].add(1.0)
    deg_inv_sqrt = jnp.where(deg > 0, deg ** -0.5, 0.0)
    norm = deg_inv_sqrt[src] * deg_inv_sqrt[dst]
    h = x @ W
    msgs = h[src] * norm[:, None]
    out = jax.ops.segment_sum(msgs, dst, num_segments=num_nodes)
    return out + b


def global_mean_pool(x, batch, num_graphs):
    sums = jax.ops.segment_sum(x, batch, num_segments=num_graphs)
    counts = jax.ops.segment_sum(jnp.ones((x.shape[0],), dtype=x.dtype), batch, num_segments=num_graphs)
    return sums / jnp.clip(counts, 1.0)[:, None]


def setup_inputs(seed: int = 0) -> dict:
    key = jax.random.key(seed)
    ks = jax.random.split(key, 10)
    x = jax.random.normal(ks[0], (N, F_IN), dtype=jnp.float32)
    edge_index = jax.random.randint(ks[1], (2, E), 0, N, dtype=jnp.int32)
    batch = jnp.sort(jax.random.randint(ks[2], (N,), 0, G, dtype=jnp.int32))
    W1 = jax.random.normal(ks[3], (F_IN, H), dtype=jnp.float32) * (1.0 / np.sqrt(F_IN))
    b1 = jnp.zeros((H,), dtype=jnp.float32)
    W2 = jax.random.normal(ks[4], (H, H), dtype=jnp.float32) * (1.0 / np.sqrt(H))
    b2 = jnp.zeros((H,), dtype=jnp.float32)
    Wlin = jax.random.normal(ks[5], (H, 2), dtype=jnp.float32) * (1.0 / np.sqrt(H))
    blin = jnp.zeros((2,), dtype=jnp.float32)
    return {"x": x, "edge_index": edge_index, "batch": batch, "W1": W1, "b1": b1, "W2": W2, "b2": b2, "Wlin": Wlin, "blin": blin}


def reference(x, edge_index, batch, W1, b1, W2, b2, Wlin, blin):
    h = gcn_conv(x, edge_index, W1, b1)
    h = jax.nn.relu(h)
    h = gcn_conv(h, edge_index, W2, b2)
    h = jax.nn.relu(h)
    g = global_mean_pool(h, batch, G)
    # dropout p=0.2 is identity in eval mode
    return g @ Wlin + blin

if __name__ == "__main__":
    import jax
    _d = setup_inputs()
    print(jax.jit(kernel)(*tuple(_d.values())))

</pallas_src>

<mosaic_0001>
#map = affine_map<(d0, d1) -> (0, 0, 0)>
#map1 = affine_map<(d0, d1) -> (0, 0)>
module attributes {stable_mosaic.version = 14 : i64} {
  func.func @_deg_body(%arg0: i32, %arg1: i32, %arg2: memref<32x80x128xi32, #tpu.memory_space<hbm>>, %arg3: memref<128x128xf32, #tpu.memory_space<hbm>>, %arg4: memref<640x128xf32, #tpu.memory_space<hbm>>, %arg5: memref<2x10240x128xf32, #tpu.memory_space<hbm>>, %arg6: memref<80x128xi32, #tpu.memory_space<vmem>>, %arg7: memref<128x128xf32, #tpu.memory_space<vmem>>, %arg8: memref<10240x128xf32, #tpu.memory_space<vmem_shared>>, %arg9: memref<!tpu.dma_semaphore, #tpu.memory_space<semaphore_mem>>) attributes {dimension_semantics = [#tpu.dimension_semantics<core_parallel>, #tpu.dimension_semantics<subcore_parallel>], iteration_bounds = array<i64: 2, 16>, scalar_prefetch = 0 : i64, scratch_operands = 4 : i64, tpu.core_type = #tpu.core_type<sc_vector_subcore>, window_params = [{transform_indices = #map}, {transform_indices = #map1}, {transform_indices = #map1}, {transform_indices = #map}]} {
    %mul3A = arith.constant 2 : i32
    %mul3A_0 = arith.muli %arg1, %mul3A : i32
    %add3A = arith.addi %mul3A_0, %arg0 : i32
    %mul3A_1 = arith.constant 640 : i32
    %mul3A_2 = arith.muli %arg1, %mul3A_1 : i32
    "tpu.region"() ({
      %run_scoped3A = tpu.sem_alloc : memref<!tpu.dma_semaphore, #tpu.memory_space<semaphore_mem>>
      %dma_start3A = arith.constant 0 : i32
      %dma_start3A_13 = tpu.memref_slice %arg8[%mul3A_2, %dma_start3A] : memref<10240x128xf32, #tpu.memory_space<vmem_shared>> -> memref<640x128xf32, #tpu.memory_space<vmem_shared>>
      tpu.enqueue_dma source(%arg4 : memref<640x128xf32, #tpu.memory_space<hbm>>) target(%dma_start3A_13 : memref<640x128xf32, #tpu.memory_space<vmem_shared>>) target_semaphore(%run_scoped3A : memref<!tpu.dma_semaphore, #tpu.memory_space<semaphore_mem>>)
      %dma_wait3A = arith.constant 0 : i32
      %dma_wait3A_14 = tpu.memref_slice %arg8[%mul3A_2, %dma_wait3A] : memref<10240x128xf32, #tpu.memory_space<vmem_shared>> -> memref<640x128xf32, #tpu.memory_space<vmem_shared>>
      tpu.wait_dma2 semaphore(%run_scoped3A : memref<!tpu.dma_semaphore, #tpu.memory_space<semaphore_mem>>) src(%arg4 : memref<640x128xf32, #tpu.memory_space<hbm>>) dst(%dma_wait3A_14 : memref<640x128xf32, #tpu.memory_space<vmem_shared>>)
      tpu.yield
    }) : () -> ()
    "tpu.region"() ({
      %run_scoped3A = tpu.sem_alloc : memref<!tpu.dma_semaphore, #tpu.memory_space<semaphore_mem>>
      tpu.enqueue_dma source(%arg3 : memref<128x128xf32, #tpu.memory_space<hbm>>) target(%arg7 : memref<128x128xf32, #tpu.memory_space<vmem>>) target_semaphore(%run_scoped3A : memref<!tpu.dma_semaphore, #tpu.memory_space<semaphore_mem>>)
      tpu.wait_dma2 semaphore(%run_scoped3A : memref<!tpu.dma_semaphore, #tpu.memory_space<semaphore_mem>>) src(%arg3 : memref<128x128xf32, #tpu.memory_space<hbm>>) dst(%arg7 : memref<128x128xf32, #tpu.memory_space<vmem>>)
      tpu.yield
    }) : () -> ()
    "tpu.region"() ({
      %run_scoped3A = tpu.sem_alloc : memref<!tpu.dma_semaphore, #tpu.memory_space<semaphore_mem>>
      %dma_start3A = arith.constant 0 : i32
      %dma_start3A_13 = arith.constant 0 : i32
      %dma_start3A_14 = tpu.memref_slice %arg2[%add3A, %dma_start3A, %dma_start3A_13] : memref<32x80x128xi32, #tpu.memory_space<hbm>> -> memref<1x80x128xi32, #tpu.memory_space<hbm>>
      %dma_start3A_15 = tpu.memref_squeeze %dma_start3A_14 : memref<1x80x128xi32, #tpu.memory_space<hbm>> -> memref<80x128xi32, #tpu.memory_space<hbm>>
      %dma_start3A_16 = arith.constant 0 : i32
      %dma_start3A_17 = arith.constant 0 : i32
      %dma_start3A_18 = tpu.memref_slice %arg2[%add3A, %dma_start3A_16, %dma_start3A_17] : memref<32x80x128xi32, #tpu.memory_space<hbm>> -> memref<1x80x128xi32, #tpu.memory_space<hbm>>
      %dma_start3A_19 = tpu.memref_squeeze %dma_start3A_18 : memref<1x80x128xi32, #tpu.memory_space<hbm>> -> memref<80x128xi32, #tpu.memory_space<hbm>>
      tpu.enqueue_dma source(%dma_start3A_19 : memref<80x128xi32, #tpu.memory_space<hbm>>) target(%arg6 : memref<80x128xi32, #tpu.memory_space<vmem>>) target_semaphore(%run_scoped3A : memref<!tpu.dma_semaphore, #tpu.memory_space<semaphore_mem>>)
      %dma_wait3A = arith.constant 0 : i32
      %dma_wait3A_20 = arith.constant 0 : i32
      %dma_wait3A_21 = tpu.memref_slice %arg2[%add3A, %dma_wait3A, %dma_wait3A_20] : memref<32x80x128xi32, #tpu.memory_space<hbm>> -> memref<1x80x128xi32, #tpu.memory_space<hbm>>
      %dma_wait3A_22 = tpu.memref_squeeze %dma_wait3A_21 : memref<1x80x128xi32, #tpu.memory_space<hbm>> -> memref<80x128xi32, #tpu.memory_space<hbm>>
      %dma_wait3A_23 = arith.constant 0 : i32
      %dma_wait3A_24 = arith.constant 0 : i32
      %dma_wait3A_25 = tpu.memref_slice %arg2[%add3A, %dma_wait3A_23, %dma_wait3A_24] : memref<32x80x128xi32, #tpu.memory_space<hbm>> -> memref<1x80x128xi32, #tpu.memory_space<hbm>>
      %dma_wait3A_26 = tpu.memref_squeeze %dma_wait3A_25 : memref<1x80x128xi32, #tpu.memory_space<hbm>> -> memref<80x128xi32, #tpu.memory_space<hbm>>
      tpu.wait_dma2 semaphore(%run_scoped3A : memref<!tpu.dma_semaphore, #tpu.memory_space<semaphore_mem>>) src(%dma_wait3A_26 : memref<80x128xi32, #tpu.memory_space<hbm>>) dst(%arg6 : memref<80x128xi32, #tpu.memory_space<vmem>>)
      tpu.yield
    }) : () -> ()
    %barrier3A = arith.constant 0 : index
    tpu.barrier barrier_id(%barrier3A)
    %scan3A = arith.constant 0 : i32
    %scan3A_3 = arith.constant 0 : i32
    %scan3A_4 = arith.constant 20 : i32
    %scan3A_5 = arith.addi %scan3A_3, %scan3A_4 : i32
    %scan3A_6 = arith.constant 1 : i32
    scf.for %scan3A_13 = %scan3A_3 to %scan3A_5 step %scan3A_6  : i32 {
      %mul3A_14 = arith.constant 4 : i32
      %mul3A_15 = arith.muli %scan3A_13, %mul3A_14 : i32
      %add3A_16 = arith.constant 0 : i32
      %add3A_17 = arith.addi %mul3A_15, %add3A_16 : i32
      %dma_start3A = arith.constant 0 : i32
      %dma_start3A_18 = tpu.memref_slice %arg6[%add3A_17, %dma_start3A] : memref<80x128xi32, #tpu.memory_space<vmem>> -> memref<1x128xi32, #tpu.memory_space<vmem>>
      %dma_start3A_19 = tpu.memref_squeeze %dma_start3A_18 : memref<1x128xi32, #tpu.memory_space<vmem>> -> memref<128xi32, #tpu.memory_space<vmem>>
      %dma_start3A_20 = arith.constant 0 : i32
      %dma_start3A_21 = arith.constant 0 : i32
      %dma_start3A_22 = tpu.memref_slice %arg8[%dma_start3A_20, %dma_start3A_21] : memref<10240x128xf32, #tpu.memory_space<vmem_shared>> -> memref<10240x128xf32, #tpu.memory_space<vmem_shared>>
      tpu.enqueue_indirect_dma source(%arg7 : memref<128x128xf32, #tpu.memory_space<vmem>>) target(%dma_start3A_22 : memref<10240x128xf32, #tpu.memory_space<vmem_shared>>) offsets(%dma_start3A_19 : memref<128xi32, #tpu.memory_space<vmem>>) semaphore(%arg9 : memref<!tpu.dma_semaphore, #tpu.memory_space<semaphore_mem>>) {add = true}
      %add3A_23 = arith.constant 1 : i32
      %add3A_24 = arith.addi %mul3A_15, %add3A_23 : i32
      %dma_start3A_25 = arith.constant 0 : i32
      %dma_start3A_26 = tpu.memref_slice %arg6[%add3A_24, %dma_start3A_25] : memref<80x128xi32, #tpu.memory_space<vmem>> -> memref<1x128xi32, #tpu.memory_space<vmem>>
      %dma_start3A_27 = tpu.memref_squeeze %dma_start3A_26 : memref<1x128xi32, #tpu.memory_space<vmem>> -> memref<128xi32, #tpu.memory_space<vmem>>
      %dma_start3A_28 = arith.constant 0 : i32
      %dma_start3A_29 = arith.constant 0 : i32
      %dma_start3A_30 = tpu.memref_slice %arg8[%dma_start3A_28, %dma_start3A_29] : memref<10240x128xf32, #tpu.memory_space<vmem_shared>> -> memref<10240x128xf32, #tpu.memory_space<vmem_shared>>
      tpu.enqueue_indirect_dma source(%arg7 : memref<128x128xf32, #tpu.memory_space<vmem>>) target(%dma_start3A_30 : memref<10240x128xf32, #tpu.memory_space<vmem_shared>>) offsets(%dma_start3A_27 : memref<128xi32, #tpu.memory_space<vmem>>) semaphore(%arg9 : memref<!tpu.dma_semaphore, #tpu.memory_space<semaphore_mem>>) {add = true}
      %add3A_31 = arith.constant 2 : i32
      %add3A_32 = arith.addi %mul3A_15, %add3A_31 : i32
      %dma_start3A_33 = arith.constant 0 : i32
      %dma_start3A_34 = tpu.memref_slice %arg6[%add3A_32, %dma_start3A_33] : memref<80x128xi32, #tpu.memory_space<vmem>> -> memref<1x128xi32, #tpu.memory_space<vmem>>
      %dma_start3A_35 = tpu.memref_squeeze %dma_start3A_34 : memref<1x128xi32, #tpu.memory_space<vmem>> -> memref<128xi32, #tpu.memory_space<vmem>>
      %dma_start3A_36 = arith.constant 0 : i32
      %dma_start3A_37 = arith.constant 0 : i32
      %dma_start3A_38 = tpu.memref_slice %arg8[%dma_start3A_36, %dma_start3A_37] : memref<10240x128xf32, #tpu.memory_space<vmem_shared>> -> memref<10240x128xf32, #tpu.memory_space<vmem_shared>>
      tpu.enqueue_indirect_dma source(%arg7 : memref<128x128xf32, #tpu.memory_space<vmem>>) target(%dma_start3A_38 : memref<10240x128xf32, #tpu.memory_space<vmem_shared>>) offsets(%dma_start3A_35 : memref<128xi32, #tpu.memory_space<vmem>>) semaphore(%arg9 : memref<!tpu.dma_semaphore, #tpu.memory_space<semaphore_mem>>) {add = true}
      %add3A_39 = arith.constant 3 : i32
      %add3A_40 = arith.addi %mul3A_15, %add3A_39 : i32
      %dma_start3A_41 = arith.constant 0 : i32
      %dma_start3A_42 = tpu.memref_slice %arg6[%add3A_40, %dma_start3A_41] : memref<80x128xi32, #tpu.memory_space<vmem>> -> memref<1x128xi32, #tpu.memory_space<vmem>>
      %dma_start3A_43 = tpu.memref_squeeze %dma_start3A_42 : memref<1x128xi32, #tpu.memory_space<vmem>> -> memref<128xi32, #tpu.memory_space<vmem>>
      %dma_start3A_44 = arith.constant 0 : i32
      %dma_start3A_45 = arith.constant 0 : i32
      %dma_start3A_46 = tpu.memref_slice %arg8[%dma_start3A_44, %dma_start3A_45] : memref<10240x128xf32, #tpu.memory_space<vmem_shared>> -> memref<10240x128xf32, #tpu.memory_space<vmem_shared>>
      tpu.enqueue_indirect_dma source(%arg7 : memref<128x128xf32, #tpu.memory_space<vmem>>) target(%dma_start3A_46 : memref<10240x128xf32, #tpu.memory_space<vmem_shared>>) offsets(%dma_start3A_43 : memref<128xi32, #tpu.memory_space<vmem>>) semaphore(%arg9 : memref<!tpu.dma_semaphore, #tpu.memory_space<semaphore_mem>>) {add = true}
      %dma_wait3A = arith.constant 0 : i32
      %dma_wait3A_47 = tpu.memref_slice %arg6[%add3A_17, %dma_wait3A] : memref<80x128xi32, #tpu.memory_space<vmem>> -> memref<1x128xi32, #tpu.memory_space<vmem>>
      %dma_wait3A_48 = tpu.memref_squeeze %dma_wait3A_47 : memref<1x128xi32, #tpu.memory_space<vmem>> -> memref<128xi32, #tpu.memory_space<vmem>>
      %dma_wait3A_49 = arith.constant 0 : i32
      %dma_wait3A_50 = arith.constant 0 : i32
      %dma_wait3A_51 = tpu.memref_slice %arg8[%dma_wait3A_49, %dma_wait3A_50] : memref<10240x128xf32, #tpu.memory_space<vmem_shared>> -> memref<10240x128xf32, #tpu.memory_space<vmem_shared>>
      tpu.wait_indirect_dma semaphore(%arg9 : memref<!tpu.dma_semaphore, #tpu.memory_space<semaphore_mem>>) src(%arg7 : memref<128x128xf32, #tpu.memory_space<vmem>>) dst(%dma_wait3A_51 : memref<10240x128xf32, #tpu.memory_space<vmem_shared>>)
      %dma_wait3A_52 = arith.constant 0 : i32
      %dma_wait3A_53 = tpu.memref_slice %arg6[%add3A_24, %dma_wait3A_52] : memref<80x128xi32, #tpu.memory_space<vmem>> -> memref<1x128xi32, #tpu.memory_space<vmem>>
      %dma_wait3A_54 = tpu.memref_squeeze %dma_wait3A_53 : memref<1x128xi32, #tpu.memory_space<vmem>> -> memref<128xi32, #tpu.memory_space<vmem>>
      %dma_wait3A_55 = arith.constant 0 : i32
      %dma_wait3A_56 = arith.constant 0 : i32
      %dma_wait3A_57 = tpu.memref_slice %arg8[%dma_wait3A_55, %dma_wait3A_56] : memref<10240x128xf32, #tpu.memory_space<vmem_shared>> -> memref<10240x128xf32, #tpu.memory_space<vmem_shared>>
      tpu.wait_indirect_dma semaphore(%arg9 : memref<!tpu.dma_semaphore, #tpu.memory_space<semaphore_mem>>) src(%arg7 : memref<128x128xf32, #tpu.memory_space<vmem>>) dst(%dma_wait3A_57 : memref<10240x128xf32, #tpu.memory_space<vmem_shared>>)
      %dma_wait3A_58 = arith.constant 0 : i32
      %dma_wait3A_59 = tpu.memref_slice %arg6[%add3A_32, %dma_wait3A_58] : memref<80x128xi32, #tpu.memory_space<vmem>> -> memref<1x128xi32, #tpu.memory_space<vmem>>
      %dma_wait3A_60 = tpu.memref_squeeze %dma_wait3A_59 : memref<1x128xi32, #tpu.memory_space<vmem>> -> memref<128xi32, #tpu.memory_space<vmem>>
      %dma_wait3A_61 = arith.constant 0 : i32
      %dma_wait3A_62 = arith.constant 0 : i32
      %dma_wait3A_63 = tpu.memref_slice %arg8[%dma_wait3A_61, %dma_wait3A_62] : memref<10240x128xf32, #tpu.memory_space<vmem_shared>> -> memref<10240x128xf32, #tpu.memory_space<vmem_shared>>
      tpu.wait_indirect_dma semaphore(%arg9 : memref<!tpu.dma_semaphore, #tpu.memory_space<semaphore_mem>>) src(%arg7 : memref<128x128xf32, #tpu.memory_space<vmem>>) dst(%dma_wait3A_63 : memref<10240x128xf32, #tpu.memory_space<vmem_shared>>)
      %dma_wait3A_64 = arith.constant 0 : i32
      %dma_wait3A_65 = tpu.memref_slice %arg6[%add3A_40, %dma_wait3A_64] : memref<80x128xi32, #tpu.memory_space<vmem>> -> memref<1x128xi32, #tpu.memory_space<vmem>>
      %dma_wait3A_66 = tpu.memref_squeeze %dma_wait3A_65 : memref<1x128xi32, #tpu.memory_space<vmem>> -> memref<128xi32, #tpu.memory_space<vmem>>
      %dma_wait3A_67 = arith.constant 0 : i32
      %dma_wait3A_68 = arith.constant 0 : i32
      %dma_wait3A_69 = tpu.memref_slice %arg8[%dma_wait3A_67, %dma_wait3A_68] : memref<10240x128xf32, #tpu.memory_space<vmem_shared>> -> memref<10240x128xf32, #tpu.memory_space<vmem_shared>>
      tpu.wait_indirect_dma semaphore(%arg9 : memref<!tpu.dma_semaphore, #tpu.memory_space<semaphore_mem>>) src(%arg7 : memref<128x128xf32, #tpu.memory_space<vmem>>) dst(%dma_wait3A_69 : memref<10240x128xf32, #tpu.memory_space<vmem_shared>>)
    }
    %scan3A_7 = arith.constant 20 : i32
    %barrier3A_8 = arith.constant 0 : index
    tpu.barrier barrier_id(%barrier3A_8)
    %mul3A_9 = arith.constant 640 : i32
    %mul3A_10 = arith.muli %arg1, %mul3A_9 : i32
    %mul3A_11 = arith.constant 640 : i32
    %mul3A_12 = arith.muli %arg1, %mul3A_11 : i32
    "tpu.region"() ({
      %run_scoped3A = tpu.sem_alloc : memref<!tpu.dma_semaphore, #tpu.memory_space<semaphore_mem>>
      %dma_start3A = arith.constant 0 : i32
      %dma_start3A_13 = tpu.memref_slice %arg5[%arg0, %mul3A_12, %dma_start3A] : memref<2x10240x128xf32, #tpu.memory_space<hbm>> -> memref<1x640x128xf32, #tpu.memory_space<hbm>>
      %dma_start3A_14 = tpu.memref_squeeze %dma_start3A_13 : memref<1x640x128xf32, #tpu.memory_space<hbm>> -> memref<640x128xf32, #tpu.memory_space<hbm>>
      %dma_start3A_15 = arith.constant 0 : i32
      %dma_start3A_16 = tpu.memref_slice %arg8[%mul3A_10, %dma_start3A_15] : memref<10240x128xf32, #tpu.memory_space<vmem_shared>> -> memref<640x128xf32, #tpu.memory_space<vmem_shared>>
      tpu.enqueue_dma source(%dma_start3A_16 : memref<640x128xf32, #tpu.memory_space<vmem_shared>>) target(%dma_start3A_14 : memref<640x128xf32, #tpu.memory_space<hbm>>) target_semaphore(%run_scoped3A : memref<!tpu.dma_semaphore, #tpu.memory_space<semaphore_mem>>)
      %dma_wait3A = arith.constant 0 : i32
      %dma_wait3A_17 = tpu.memref_slice %arg5[%arg0, %mul3A_12, %dma_wait3A] : memref<2x10240x128xf32, #tpu.memory_space<hbm>> -> memref<1x640x128xf32, #tpu.memory_space<hbm>>
      %dma_wait3A_18 = tpu.memref_squeeze %dma_wait3A_17 : memref<1x640x128xf32, #tpu.memory_space<hbm>> -> memref<640x128xf32, #tpu.memory_space<hbm>>
      %dma_wait3A_19 = arith.constant 0 : i32
      %dma_wait3A_20 = tpu.memref_slice %arg8[%mul3A_10, %dma_wait3A_19] : memref<10240x128xf32, #tpu.memory_space<vmem_shared>> -> memref<640x128xf32, #tpu.memory_space<vmem_shared>>
      tpu.wait_dma2 semaphore(%run_scoped3A : memref<!tpu.dma_semaphore, #tpu.memory_space<semaphore_mem>>) src(%dma_wait3A_20 : memref<640x128xf32, #tpu.memory_space<vmem_shared>>) dst(%dma_wait3A_18 : memref<640x128xf32, #tpu.memory_space<hbm>>)
      tpu.yield
    }) : () -> ()
    return
  }
}

#map = affine_map<(d0, d1) -> (0, 0)>
#map1 = affine_map<(d0, d1) -> (0)>
#map2 = affine_map<(d0, d1) -> (0, 0, 0)>
module attributes {stable_mosaic.version = 14 : i64} {
  func.func @_scat_body(%arg0: i32, %arg1: i32, %arg2: memref<10240x128xf32, #tpu.memory_space<hbm>>, %arg3: memref<323584xi32, #tpu.memory_space<hbm>>, %arg4: memref<323584xi32, #tpu.memory_space<hbm>>, %arg5: memref<640x128xf32, #tpu.memory_space<hbm>>, %arg6: memref<2x10240x128xf32, #tpu.memory_space<hbm>>, %arg7: memref<128xi32, #tpu.memory_space<vmem>>, %arg8: memref<128xi32, #tpu.memory_space<vmem>>, %arg9: memref<128x128xf32, #tpu.memory_space<vmem>>, %arg10: memref<10240x128xf32, #tpu.memory_space<vmem_shared>>, %arg11: memref<!tpu.dma_semaphore, #tpu.memory_space<semaphore_mem>>) attributes {dimension_semantics = [#tpu.dimension_semantics<core_parallel>, #tpu.dimension_semantics<subcore_parallel>], iteration_bounds = array<i64: 2, 16>, scalar_prefetch = 0 : i64, scratch_operands = 5 : i64, tpu.core_type = #tpu.core_type<sc_vector_subcore>, window_params = [{transform_indices = #map}, {transform_indices = #map1}, {transform_indices = #map1}, {transform_indices = #map}, {transform_indices = #map2}]} {
    %mul3A = arith.constant 2 : i32
    %mul3A_0 = arith.muli %arg1, %mul3A : i32
    %add3A = arith.addi %mul3A_0, %arg0 : i32
    %mul3A_1 = arith.constant 640 : i32
    %mul3A_2 = arith.muli %arg1, %mul3A_1 : i32
    "tpu.region"() ({
      %run_scoped3A = tpu.sem_alloc : memref<!tpu.dma_semaphore, #tpu.memory_space<semaphore_mem>>
      %dma_start3A = arith.constant 0 : i32
      %dma_start3A_15 = tpu.memref_slice %arg10[%mul3A_2, %dma_start3A] : memref<10240x128xf32, #tpu.memory_space<vmem_shared>> -> memref<640x128xf32, #tpu.memory_space<vmem_shared>>
      tpu.enqueue_dma source(%arg5 : memref<640x128xf32, #tpu.memory_space<hbm>>) target(%dma_start3A_15 : memref<640x128xf32, #tpu.memory_space<vmem_shared>>) target_semaphore(%run_scoped3A : memref<!tpu.dma_semaphore, #tpu.memory_space<semaphore_mem>>)
      %dma_wait3A = arith.constant 0 : i32
      %dma_wait3A_16 = tpu.memref_slice %arg10[%mul3A_2, %dma_wait3A] : memref<10240x128xf32, #tpu.memory_space<vmem_shared>> -> memref<640x128xf32, #tpu.memory_space<vmem_shared>>
      tpu.wait_dma2 semaphore(%run_scoped3A : memref<!tpu.dma_semaphore, #tpu.memory_space<semaphore_mem>>) src(%arg5 : memref<640x128xf32, #tpu.memory_space<hbm>>) dst(%dma_wait3A_16 : memref<640x128xf32, #tpu.memory_space<vmem_shared>>)
      tpu.yield
    }) : () -> ()
    %barrier3A = arith.constant 0 : index
    tpu.barrier barrier_id(%barrier3A)
    %mul3A_3 = arith.constant 10112 : i32
    %mul3A_4 = arith.muli %add3A, %mul3A_3 : i32
    %scan3A = arith.constant 0 : i32
    %scan3A_5 = arith.constant 0 : i32
    %scan3A_6 = arith.constant 79 : i32
    %scan3A_7 = arith.addi %scan3A_5, %scan3A_6 : i32
    %scan3A_8 = arith.constant 1 : i32
    scf.for %scan3A_15 = %scan3A_5 to %scan3A_7 step %scan3A_8  : i32 {
      %mul3A_16 = arith.constant 128 : i32
      %mul3A_17 = arith.muli %scan3A_15, %mul3A_16 : i32
      %add3A_18 = arith.addi %mul3A_4, %mul3A_17 : i32
      "tpu.region"() ({
        %run_scoped3A = tpu.sem_alloc : memref<!tpu.dma_semaphore, #tpu.memory_space<semaphore_mem>>
        %dma_start3A_23 = tpu.memref_slice %arg3[%add3A_18] : memref<323584xi32, #tpu.memory_space<hbm>> -> memref<128xi32, #tpu.memory_space<hbm>>
        %dma_start3A_24 = tpu.memref_slice %arg3[%add3A_18] : memref<323584xi32, #tpu.memory_space<hbm>> -> memref<128xi32, #tpu.memory_space<hbm>>
        tpu.enqueue_dma source(%dma_start3A_24 : memref<128xi32, #tpu.memory_space<hbm>>) target(%arg7 : memref<128xi32, #tpu.memory_space<vmem>>) target_semaphore(%run_scoped3A : memref<!tpu.dma_semaphore, #tpu.memory_space<semaphore_mem>>)
        %dma_wait3A_25 = tpu.memref_slice %arg3[%add3A_18] : memref<323584xi32, #tpu.memory_space<hbm>> -> memref<128xi32, #tpu.memory_space<hbm>>
        %dma_wait3A_26 = tpu.memref_slice %arg3[%add3A_18] : memref<323584xi32, #tpu.memory_space<hbm>> -> memref<128xi32, #tpu.memory_space<hbm>>
        tpu.wait_dma2 semaphore(%run_scoped3A : memref<!tpu.dma_semaphore, #tpu.memory_space<semaphore_mem>>) src(%dma_wait3A_26 : memref<128xi32, #tpu.memory_space<hbm>>) dst(%arg7 : memref<128xi32, #tpu.memory_space<vmem>>)
        tpu.yield
      }) : () -> ()
      "tpu.region"() ({
        %run_scoped3A = tpu.sem_alloc : memref<!tpu.dma_semaphore, #tpu.memory_space<semaphore_mem>>
        %dma_start3A_23 = tpu.memref_slice %arg4[%add3A_18] : memref<323584xi32, #tpu.memory_space<hbm>> -> memref<128xi32, #tpu.memory_space<hbm>>
        %dma_start3A_24 = tpu.memref_slice %arg4[%add3A_18] : memref<323584xi32, #tpu.memory_space<hbm>> -> memref<128xi32, #tpu.memory_space<hbm>>
        tpu.enqueue_dma source(%dma_start3A_24 : memref<128xi32, #tpu.memory_space<hbm>>) target(%arg8 : memref<128xi32, #tpu.memory_space<vmem>>) target_semaphore(%run_scoped3A : memref<!tpu.dma_semaphore, #tpu.memory_space<semaphore_mem>>)
        %dma_wait3A_25 = tpu.memref_slice %arg4[%add3A_18] : memref<323584xi32, #tpu.memory_space<hbm>> -> memref<128xi32, #tpu.memory_space<hbm>>
        %dma_wait3A_26 = tpu.memref_slice %arg4[%add3A_18] : memref<323584xi32, #tpu.memory_space<hbm>> -> memref<128xi32, #tpu.memory_space<hbm>>
        tpu.wait_dma2 semaphore(%run_scoped3A : memref<!tpu.dma_semaphore, #tpu.memory_space<semaphore_mem>>) src(%dma_wait3A_26 : memref<128xi32, #tpu.memory_space<hbm>>) dst(%arg8 : memref<128xi32, #tpu.memory_space<vmem>>)
        tpu.yield
      }) : () -> ()
      %dma_start3A = arith.constant 0 : i32
      %dma_start3A_19 = arith.constant 0 : i32
      %dma_start3A_20 = tpu.memref_slice %arg2[%dma_start3A, %dma_start3A_19] : memref<10240x128xf32, #tpu.memory_space<hbm>> -> memref<10240x128xf32, #tpu.memory_space<hbm>>
      tpu.enqueue_indirect_dma source(%dma_start3A_20 : memref<10240x128xf32, #tpu.memory_space<hbm>>) target(%arg9 : memref<128x128xf32, #tpu.memory_space<vmem>>) offsets(%arg7 : memref<128xi32, #tpu.memory_space<vmem>>) semaphore(%arg11 : memref<!tpu.dma_semaphore, #tpu.memory_space<semaphore_mem>>)
      %dma_wait3A = arith.constant 0 : i32
      %dma_wait3A_21 = arith.constant 0 : i32
      %dma_wait3A_22 = tpu.memref_slice %arg2[%dma_wait3A, %dma_wait3A_21] : memref<10240x128xf32, #tpu.memory_space<hbm>> -> memref<10240x128xf32, #tpu.memory_space<hbm>>
      tpu.wait_indirect_dma semaphore(%arg11 : memref<!tpu.dma_semaphore, #tpu.memory_space<semaphore_mem>>) src(%dma_wait3A_22 : memref<10240x128xf32, #tpu.memory_space<hbm>>) dst(%arg9 : memref<128x128xf32, #tpu.memory_space<vmem>>)
      "tpu.region"() ({
        %run_scoped3A = tpu.sem_alloc : memref<!tpu.dma_semaphore, #tpu.memory_space<semaphore_mem>>
        %dma_start3A_23 = arith.constant 0 : i32
        %dma_start3A_24 = arith.constant 0 : i32
        %dma_start3A_25 = tpu.memref_slice %arg10[%dma_start3A_23, %dma_start3A_24] : memref<10240x128xf32, #tpu.memory_space<vmem_shared>> -> memref<10240x128xf32, #tpu.memory_space<vmem_shared>>
        tpu.enqueue_indirect_dma source(%arg9 : memref<128x128xf32, #tpu.memory_space<vmem>>) target(%dma_start3A_25 : memref<10240x128xf32, #tpu.memory_space<vmem_shared>>) offsets(%arg8 : memref<128xi32, #tpu.memory_space<vmem>>) semaphore(%run_scoped3A : memref<!tpu.dma_semaphore, #tpu.memory_space<semaphore_mem>>) {add = true}
        %dma_wait3A_26 = arith.constant 0 : i32
        %dma_wait3A_27 = arith.constant 0 : i32
        %dma_wait3A_28 = tpu.memref_slice %arg10[%dma_wait3A_26, %dma_wait3A_27] : memref<10240x128xf32, #tpu.memory_space<vmem_shared>> -> memref<10240x128xf32, #tpu.memory_space<vmem_shared>>
        tpu.wait_indirect_dma semaphore(%run_scoped3A : memref<!tpu.dma_semaphore, #tpu.memory_space<semaphore_mem>>) src(%arg9 : memref<128x128xf32, #tpu.memory_space<vmem>>) dst(%dma_wait3A_28 : memref<10240x128xf32, #tpu.memory_space<vmem_shared>>)
        tpu.yield
      }) : () -> ()
    }
    %scan3A_9 = arith.constant 79 : i32
    %barrier3A_10 = arith.constant 0 : index
    tpu.barrier barrier_id(%barrier3A_10)
    %mul3A_11 = arith.constant 640 : i32
    %mul3A_12 = arith.muli %arg1, %mul3A_11 : i32
    %mul3A_13 = arith.constant 640 : i32
    %mul3A_14 = arith.muli %arg1, %mul3A_13 : i32
    "tpu.region"() ({
      %run_scoped3A = tpu.sem_alloc : memref<!tpu.dma_semaphore, #tpu.memory_space<semaphore_mem>>
      %dma_start3A = arith.constant 0 : i32
      %dma_start3A_15 = tpu.memref_slice %arg6[%arg0, %mul3A_14, %dma_start3A] : memref<2x10240x128xf32, #tpu.memory_space<hbm>> -> memref<1x640x128xf32, #tpu.memory_space<hbm>>
      %dma_start3A_16 = tpu.memref_squeeze %dma_start3A_15 : memref<1x640x128xf32, #tpu.memory_space<hbm>> -> memref<640x128xf32, #tpu.memory_space<hbm>>
      %dma_start3A_17 = arith.constant 0 : i32
      %dma_start3A_18 = tpu.memref_slice %arg10[%mul3A_12, %dma_start3A_17] : memref<10240x128xf32, #tpu.memory_space<vmem_shared>> -> memref<640x128xf32, #tpu.memory_space<vmem_shared>>
      tpu.enqueue_dma source(%dma_start3A_18 : memref<640x128xf32, #tpu.memory_space<vmem_shared>>) target(%dma_start3A_16 : memref<640x128xf32, #tpu.memory_space<hbm>>) target_semaphore(%run_scoped3A : memref<!tpu.dma_semaphore, #tpu.memory_space<semaphore_mem>>)
      %dma_wait3A = arith.constant 0 : i32
      %dma_wait3A_19 = tpu.memref_slice %arg6[%arg0, %mul3A_14, %dma_wait3A] : memref<2x10240x128xf32, #tpu.memory_space<hbm>> -> memref<1x640x128xf32, #tpu.memory_space<hbm>>
      %dma_wait3A_20 = tpu.memref_squeeze %dma_wait3A_19 : memref<1x640x128xf32, #tpu.memory_space<hbm>> -> memref<640x128xf32, #tpu.memory_space<hbm>>
      %dma_wait3A_21 = arith.constant 0 : i32
      %dma_wait3A_22 = tpu.memref_slice %arg10[%mul3A_12, %dma_wait3A_21] : memref<10240x128xf32, #tpu.memory_space<vmem_shared>> -> memref<640x128xf32, #tpu.memory_space<vmem_shared>>
      tpu.wait_dma2 semaphore(%run_scoped3A : memref<!tpu.dma_semaphore, #tpu.memory_space<semaphore_mem>>) src(%dma_wait3A_22 : memref<640x128xf32, #tpu.memory_space<vmem_shared>>) dst(%dma_wait3A_20 : memref<640x128xf32, #tpu.memory_space<hbm>>)
      tpu.yield
    }) : () -> ()
    return
  }
}

#map = affine_map<(d0, d1) -> (0, 0)>
#map1 = affine_map<(d0, d1) -> (0)>
#map2 = affine_map<(d0, d1) -> (0, 0, 0)>
module attributes {stable_mosaic.version = 14 : i64} {
  func.func @_scat_body(%arg0: i32, %arg1: i32, %arg2: memref<10240x128xf32, #tpu.memory_space<hbm>>, %arg3: memref<323584xi32, #tpu.memory_space<hbm>>, %arg4: memref<323584xi32, #tpu.memory_space<hbm>>, %arg5: memref<640x128xf32, #tpu.memory_space<hbm>>, %arg6: memref<2x10240x128xf32, #tpu.memory_space<hbm>>, %arg7: memref<128xi32, #tpu.memory_space<vmem>>, %arg8: memref<128xi32, #tpu.memory_space<vmem>>, %arg9: memref<128x128xf32, #tpu.memory_space<vmem>>, %arg10: memref<10240x128xf32, #tpu.memory_space<vmem_shared>>, %arg11: memref<!tpu.dma_semaphore, #tpu.memory_space<semaphore_mem>>) attributes {dimension_semantics = [#tpu.dimension_semantics<core_parallel>, #tpu.dimension_semantics<subcore_parallel>], iteration_bounds = array<i64: 2, 16>, scalar_prefetch = 0 : i64, scratch_operands = 5 : i64, tpu.core_type = #tpu.core_type<sc_vector_subcore>, window_params = [{transform_indices = #map}, {transform_indices = #map1}, {transform_indices = #map1}, {transform_indices = #map}, {transform_indices = #map2}]} {
    %mul3A = arith.constant 2 : i32
    %mul3A_0 = arith.muli %arg1, %mul3A : i32
    %add3A = arith.addi %mul3A_0, %arg0 : i32
    %mul3A_1 = arith.constant 640 : i32
    %mul3A_2 = arith.muli %arg1, %mul3A_1 : i32
    "tpu.region"() ({
      %run_scoped3A = tpu.sem_alloc : memref<!tpu.dma_semaphore, #tpu.memory_space<semaphore_mem>>
      %dma_start3A = arith.constant 0 : i32
      %dma_start3A_15 = tpu.memref_slice %arg10[%mul3A_2, %dma_start3A] : memref<10240x128xf32, #tpu.memory_space<vmem_shared>> -> memref<640x128xf32, #tpu.memory_space<vmem_shared>>
      tpu.enqueue_dma source(%arg5 : memref<640x128xf32, #tpu.memory_space<hbm>>) target(%dma_start3A_15 : memref<640x128xf32, #tpu.memory_space<vmem_shared>>) target_semaphore(%run_scoped3A : memref<!tpu.dma_semaphore, #tpu.memory_space<semaphore_mem>>)
      %dma_wait3A = arith.constant 0 : i32
      %dma_wait3A_16 = tpu.memref_slice %arg10[%mul3A_2, %dma_wait3A] : memref<10240x128xf32, #tpu.memory_space<vmem_shared>> -> memref<640x128xf32, #tpu.memory_space<vmem_shared>>
      tpu.wait_dma2 semaphore(%run_scoped3A : memref<!tpu.dma_semaphore, #tpu.memory_space<semaphore_mem>>) src(%arg5 : memref<640x128xf32, #tpu.memory_space<hbm>>) dst(%dma_wait3A_16 : memref<640x128xf32, #tpu.memory_space<vmem_shared>>)
      tpu.yield
    }) : () -> ()
    %barrier3A = arith.constant 0 : index
    tpu.barrier barrier_id(%barrier3A)
    %mul3A_3 = arith.constant 10112 : i32
    %mul3A_4 = arith.muli %add3A, %mul3A_3 : i32
    %scan3A = arith.constant 0 : i32
    %scan3A_5 = arith.constant 0 : i32
    %scan3A_6 = arith.constant 79 : i32
    %scan3A_7 = arith.addi %scan3A_5, %scan3A_6 : i32
    %scan3A_8 = arith.constant 1 : i32
    scf.for %scan3A_15 = %scan3A_5 to %scan3A_7 step %scan3A_8  : i32 {
      %mul3A_16 = arith.constant 128 : i32
      %mul3A_17 = arith.muli %scan3A_15, %mul3A_16 : i32
      %add3A_18 = arith.addi %mul3A_4, %mul3A_17 : i32
      "tpu.region"() ({
        %run_scoped3A = tpu.sem_alloc : memref<!tpu.dma_semaphore, #tpu.memory_space<semaphore_mem>>
        %dma_start3A_23 = tpu.memref_slice %arg3[%add3A_18] : memref<323584xi32, #tpu.memory_space<hbm>> -> memref<128xi32, #tpu.memory_space<hbm>>
        %dma_start3A_24 = tpu.memref_slice %arg3[%add3A_18] : memref<323584xi32, #tpu.memory_space<hbm>> -> memref<128xi32, #tpu.memory_space<hbm>>
        tpu.enqueue_dma source(%dma_start3A_24 : memref<128xi32, #tpu.memory_space<hbm>>) target(%arg7 : memref<128xi32, #tpu.memory_space<vmem>>) target_semaphore(%run_scoped3A : memref<!tpu.dma_semaphore, #tpu.memory_space<semaphore_mem>>)
        %dma_wait3A_25 = tpu.memref_slice %arg3[%add3A_18] : memref<323584xi32, #tpu.memory_space<hbm>> -> memref<128xi32, #tpu.memory_space<hbm>>
        %dma_wait3A_26 = tpu.memref_slice %arg3[%add3A_18] : memref<323584xi32, #tpu.memory_space<hbm>> -> memref<128xi32, #tpu.memory_space<hbm>>
        tpu.wait_dma2 semaphore(%run_scoped3A : memref<!tpu.dma_semaphore, #tpu.memory_space<semaphore_mem>>) src(%dma_wait3A_26 : memref<128xi32, #tpu.memory_space<hbm>>) dst(%arg7 : memref<128xi32, #tpu.memory_space<vmem>>)
        tpu.yield
      }) : () -> ()
      "tpu.region"() ({
        %run_scoped3A = tpu.sem_alloc : memref<!tpu.dma_semaphore, #tpu.memory_space<semaphore_mem>>
        %dma_start3A_23 = tpu.memref_slice %arg4[%add3A_18] : memref<323584xi32, #tpu.memory_space<hbm>> -> memref<128xi32, #tpu.memory_space<hbm>>
        %dma_start3A_24 = tpu.memref_slice %arg4[%add3A_18] : memref<323584xi32, #tpu.memory_space<hbm>> -> memref<128xi32, #tpu.memory_space<hbm>>
        tpu.enqueue_dma source(%dma_start3A_24 : memref<128xi32, #tpu.memory_space<hbm>>) target(%arg8 : memref<128xi32, #tpu.memory_space<vmem>>) target_semaphore(%run_scoped3A : memref<!tpu.dma_semaphore, #tpu.memory_space<semaphore_mem>>)
        %dma_wait3A_25 = tpu.memref_slice %arg4[%add3A_18] : memref<323584xi32, #tpu.memory_space<hbm>> -> memref<128xi32, #tpu.memory_space<hbm>>
        %dma_wait3A_26 = tpu.memref_slice %arg4[%add3A_18] : memref<323584xi32, #tpu.memory_space<hbm>> -> memref<128xi32, #tpu.memory_space<hbm>>
        tpu.wait_dma2 semaphore(%run_scoped3A : memref<!tpu.dma_semaphore, #tpu.memory_space<semaphore_mem>>) src(%dma_wait3A_26 : memref<128xi32, #tpu.memory_space<hbm>>) dst(%arg8 : memref<128xi32, #tpu.memory_space<vmem>>)
        tpu.yield
      }) : () -> ()
      %dma_start3A = arith.constant 0 : i32
      %dma_start3A_19 = arith.constant 0 : i32
      %dma_start3A_20 = tpu.memref_slice %arg2[%dma_start3A, %dma_start3A_19] : memref<10240x128xf32, #tpu.memory_space<hbm>> -> memref<10240x128xf32, #tpu.memory_space<hbm>>
      tpu.enqueue_indirect_dma source(%dma_start3A_20 : memref<10240x128xf32, #tpu.memory_space<hbm>>) target(%arg9 : memref<128x128xf32, #tpu.memory_space<vmem>>) offsets(%arg7 : memref<128xi32, #tpu.memory_space<vmem>>) semaphore(%arg11 : memref<!tpu.dma_semaphore, #tpu.memory_space<semaphore_mem>>)
      %dma_wait3A = arith.constant 0 : i32
      %dma_wait3A_21 = arith.constant 0 : i32
      %dma_wait3A_22 = tpu.memref_slice %arg2[%dma_wait3A, %dma_wait3A_21] : memref<10240x128xf32, #tpu.memory_space<hbm>> -> memref<10240x128xf32, #tpu.memory_space<hbm>>
      tpu.wait_indirect_dma semaphore(%arg11 : memref<!tpu.dma_semaphore, #tpu.memory_space<semaphore_mem>>) src(%dma_wait3A_22 : memref<10240x128xf32, #tpu.memory_space<hbm>>) dst(%arg9 : memref<128x128xf32, #tpu.memory_space<vmem>>)
      "tpu.region"() ({
        %run_scoped3A = tpu.sem_alloc : memref<!tpu.dma_semaphore, #tpu.memory_space<semaphore_mem>>
        %dma_start3A_23 = arith.constant 0 : i32
        %dma_start3A_24 = arith.constant 0 : i32
        %dma_start3A_25 = tpu.memref_slice %arg10[%dma_start3A_23, %dma_start3A_24] : memref<10240x128xf32, #tpu.memory_space<vmem_shared>> -> memref<10240x128xf32, #tpu.memory_space<vmem_shared>>
        tpu.enqueue_indirect_dma source(%arg9 : memref<128x128xf32, #tpu.memory_space<vmem>>) target(%dma_start3A_25 : memref<10240x128xf32, #tpu.memory_space<vmem_shared>>) offsets(%arg8 : memref<128xi32, #tpu.memory_space<vmem>>) semaphore(%run_scoped3A : memref<!tpu.dma_semaphore, #tpu.memory_space<semaphore_mem>>) {add = true}
        %dma_wait3A_26 = arith.constant 0 : i32
        %dma_wait3A_27 = arith.constant 0 : i32
        %dma_wait3A_28 = tpu.memref_slice %arg10[%dma_wait3A_26, %dma_wait3A_27] : memref<10240x128xf32, #tpu.memory_space<vmem_shared>> -> memref<10240x128xf32, #tpu.memory_space<vmem_shared>>
        tpu.wait_indirect_dma semaphore(%run_scoped3A : memref<!tpu.dma_semaphore, #tpu.memory_space<semaphore_mem>>) src(%arg9 : memref<128x128xf32, #tpu.memory_space<vmem>>) dst(%dma_wait3A_28 : memref<10240x128xf32, #tpu.memory_space<vmem_shared>>)
        tpu.yield
      }) : () -> ()
    }
    %scan3A_9 = arith.constant 79 : i32
    %barrier3A_10 = arith.constant 0 : index
    tpu.barrier barrier_id(%barrier3A_10)
    %mul3A_11 = arith.constant 640 : i32
    %mul3A_12 = arith.muli %arg1, %mul3A_11 : i32
    %mul3A_13 = arith.constant 640 : i32
    %mul3A_14 = arith.muli %arg1, %mul3A_13 : i32
    "tpu.region"() ({
      %run_scoped3A = tpu.sem_alloc : memref<!tpu.dma_semaphore, #tpu.memory_space<semaphore_mem>>
      %dma_start3A = arith.constant 0 : i32
      %dma_start3A_15 = tpu.memref_slice %arg6[%arg0, %mul3A_14, %dma_start3A] : memref<2x10240x128xf32, #tpu.memory_space<hbm>> -> memref<1x640x128xf32, #tpu.memory_space<hbm>>
      %dma_start3A_16 = tpu.memref_squeeze %dma_start3A_15 : memref<1x640x128xf32, #tpu.memory_space<hbm>> -> memref<640x128xf32, #tpu.memory_space<hbm>>
      %dma_start3A_17 = arith.constant 0 : i32
      %dma_start3A_18 = tpu.memref_slice %arg10[%mul3A_12, %dma_start3A_17] : memref<10240x128xf32, #tpu.memory_space<vmem_shared>> -> memref<640x128xf32, #tpu.memory_space<vmem_shared>>
      tpu.enqueue_dma source(%dma_start3A_18 : memref<640x128xf32, #tpu.memory_space<vmem_shared>>) target(%dma_start3A_16 : memref<640x128xf32, #tpu.memory_space<hbm>>) target_semaphore(%run_scoped3A : memref<!tpu.dma_semaphore, #tpu.memory_space<semaphore_mem>>)
      %dma_wait3A = arith.constant 0 : i32
      %dma_wait3A_19 = tpu.memref_slice %arg6[%arg0, %mul3A_14, %dma_wait3A] : memref<2x10240x128xf32, #tpu.memory_space<hbm>> -> memref<1x640x128xf32, #tpu.memory_space<hbm>>
      %dma_wait3A_20 = tpu.memref_squeeze %dma_wait3A_19 : memref<1x640x128xf32, #tpu.memory_space<hbm>> -> memref<640x128xf32, #tpu.memory_space<hbm>>
      %dma_wait3A_21 = arith.constant 0 : i32
      %dma_wait3A_22 = tpu.memref_slice %arg10[%mul3A_12, %dma_wait3A_21] : memref<10240x128xf32, #tpu.memory_space<vmem_shared>> -> memref<640x128xf32, #tpu.memory_space<vmem_shared>>
      tpu.wait_dma2 semaphore(%run_scoped3A : memref<!tpu.dma_semaphore, #tpu.memory_space<semaphore_mem>>) src(%dma_wait3A_22 : memref<640x128xf32, #tpu.memory_space<vmem_shared>>) dst(%dma_wait3A_20 : memref<640x128xf32, #tpu.memory_space<hbm>>)
      tpu.yield
    }) : () -> ()
    return
  }
}

module attributes {stable_mosaic.version = 14 : i64} {
  func.func @_dinv_body(%arg0: memref<2x10240x128xf32, #tpu.memory_space<vmem>>, %arg1: memref<10240x1xf32, #tpu.memory_space<vmem>>) attributes {dimension_semantics = [], scalar_prefetch = 0 : i64, scratch_operands = 0 : i64, tpu.core_type = #tpu.core_type<tc>} {
    %get3A = arith.constant 0 : index
    %get3A_0 = arith.constant 0 : index
    %get3A_1 = arith.constant 0 : index
    %get3A_2 = vector.load %arg0[%get3A, %get3A_0, %get3A_1] : memref<2x10240x128xf32, #tpu.memory_space<vmem>>, vector<2x10240x128xf32>
    %slice3A = vector.extract_strided_slice %get3A_2 {offsets = [0, 0, 0], sizes = [1, 10240, 1], strides = [1, 1, 1]} : vector<2x10240x128xf32> to vector<1x10240x1xf32>
    %squeeze3A = vector.shape_cast %slice3A : vector<1x10240x1xf32> to vector<10240x1xf32>
    %slice3A_3 = vector.extract_strided_slice %get3A_2 {offsets = [1, 0, 0], sizes = [1, 10240, 1], strides = [1, 1, 1]} : vector<2x10240x128xf32> to vector<1x10240x1xf32>
    %squeeze3A_4 = vector.shape_cast %slice3A_3 : vector<1x10240x1xf32> to vector<10240x1xf32>
    %add3A = arith.addf %squeeze3A, %squeeze3A_4 : vector<10240x1xf32>
    %add3A_5 = arith.constant 1.000000e+00 : f32
    %add3A_6 = vector.broadcast %add3A_5 : f32 to vector<10240x1xf32>
    %add3A_7 = arith.addf %add3A, %add3A_6 : vector<10240x1xf32>
    %rsqrt3A = math.rsqrt %add3A_7 : vector<10240x1xf32>
    %swap3A = arith.constant 0 : index
    %swap3A_8 = arith.constant 0 : index
    %swap3A_9 = vector.load %arg1[%swap3A, %swap3A_8] : memref<10240x1xf32, #tpu.memory_space<vmem>>, vector<10240x1xf32>
    tpu.vector_store %arg1[%swap3A, %swap3A_8], %rsqrt3A {strides = array<i32>} : memref<10240x1xf32, #tpu.memory_space<vmem>>, vector<10240x1xf32>,
    return
  }
}

module attributes {stable_mosaic.version = 14 : i64} {
  func.func @_h1_body(%arg0: i32, %arg1: memref<2560x128xf32, #tpu.memory_space<vmem>>, %arg2: memref<128x128xf32, #tpu.memory_space<vmem>>, %arg3: memref<2560x1xf32, #tpu.memory_space<vmem>>, %arg4: memref<2560x128xf32, #tpu.memory_space<vmem>>) attributes {dimension_semantics = [#tpu.dimension_semantics<arbitrary>], iteration_bounds = array<i64: 4>, scalar_prefetch = 0 : i64, scratch_operands = 0 : i64, tpu.core_type = #tpu.core_type<tc>, window_params = [{transform_indices = @transform_0, window_bounds = array<i64: 2560, 128>}, {pipeline_mode = #tpu.pipeline_mode<synchronous>, transform_indices = @transform_1, window_bounds = array<i64: 128, 128>}, {transform_indices = @transform_2, window_bounds = array<i64: 2560, 1>}, {transform_indices = @transform_3, window_bounds = array<i64: 2560, 128>}]} {
    %get3A = arith.constant 0 : index
    %get3A_0 = arith.constant 0 : index
    %get3A_1 = vector.load %arg1[%get3A, %get3A_0] : memref<2560x128xf32, #tpu.memory_space<vmem>>, vector<2560x128xf32>
    %get3A_2 = arith.constant 0 : index
    %get3A_3 = arith.constant 0 : index
    %get3A_4 = vector.load %arg2[%get3A_2, %get3A_3] : memref<128x128xf32, #tpu.memory_space<vmem>>, vector<128x128xf32>
    %dot_general3A = arith.constant dense<0.000000e+00> : vector<2560x128xf32>
    %dot_general3A_5 = tpu.matmul %get3A_1, %get3A_4, %dot_general3A {dimension_numbers = #tpu.dot_dimension_numbers<[1], [0], [0], [1], [0, 0, 1, 1], [], []>, transpose_lhs_hint = false} : vector<2560x128xf32>, vector<128x128xf32>, vector<2560x128xf32> -> vector<2560x128xf32>
    %get3A_6 = arith.constant 0 : index
    %get3A_7 = arith.constant 0 : index
    %get3A_8 = vector.load %arg3[%get3A_6, %get3A_7] : memref<2560x1xf32, #tpu.memory_space<vmem>>, vector<2560x1xf32>
    %mul3A = vector.broadcast %get3A_8 : vector<2560x1xf32> to vector<2560x128xf32>
    %mul3A_9 = arith.mulf %dot_general3A_5, %mul3A : vector<2560x128xf32>
    %swap3A = arith.constant 0 : index
    %swap3A_10 = arith.constant 0 : index
    %swap3A_11 = vector.load %arg4[%swap3A, %swap3A_10] : memref<2560x128xf32, #tpu.memory_space<vmem>>, vector<2560x128xf32>
    tpu.vector_store %arg4[%swap3A, %swap3A_10], %mul3A_9 {strides = array<i32>} : memref<2560x128xf32, #tpu.memory_space<vmem>>, vector<2560x128xf32>,
    return
  }
  func.func @transform_0(%arg0: i32) -> (i32, i32) {
    %c0_i32 = arith.constant 0 : i32
    %c0_i32_0 = arith.constant 0 : i32
    return %arg0, %c0_i32 : i32, i32
  }
  func.func @transform_1(%arg0: i32) -> (i32, i32) {
    %c0_i32 = arith.constant 0 : i32
    %c0_i32_0 = arith.constant 0 : i32
    %c0_i32_1 = arith.constant 0 : i32
    return %c0_i32, %c0_i32_0 : i32, i32
  }
  func.func @transform_2(%arg0: i32) -> (i32, i32) {
    %c0_i32 = arith.constant 0 : i32
    %c0_i32_0 = arith.constant 0 : i32
    return %arg0, %c0_i32 : i32, i32
  }
  func.func @transform_3(%arg0: i32) -> (i32, i32) {
    %c0_i32 = arith.constant 0 : i32
    %c0_i32_0 = arith.constant 0 : i32
    return %arg0, %c0_i32 : i32, i32
  }
}

module attributes {stable_mosaic.version = 14 : i64} {
  func.func @_mid_body(%arg0: i32, %arg1: memref<2x2560x128xf32, #tpu.memory_space<vmem>>, %arg2: memref<2560x128xf32, #tpu.memory_space<vmem>>, %arg3: memref<2560x1xf32, #tpu.memory_space<vmem>>, %arg4: memref<1x128xf32, #tpu.memory_space<vmem>>, %arg5: memref<128x128xf32, #tpu.memory_space<vmem>>, %arg6: memref<2560x128xf32, #tpu.memory_space<vmem>>) attributes {dimension_semantics = [#tpu.dimension_semantics<arbitrary>], iteration_bounds = array<i64: 4>, scalar_prefetch = 0 : i64, scratch_operands = 0 : i64, tpu.core_type = #tpu.core_type<tc>, window_params = [{transform_indices = @transform_0, window_bounds = array<i64: 2, 2560, 128>}, {transform_indices = @transform_1, window_bounds = array<i64: 2560, 128>}, {transform_indices = @transform_2, window_bounds = array<i64: 2560, 1>}, {pipeline_mode = #tpu.pipeline_mode<synchronous>, transform_indices = @transform_3, window_bounds = array<i64: 1, 128>}, {pipeline_mode = #tpu.pipeline_mode<synchronous>, transform_indices = @transform_4, window_bounds = array<i64: 128, 128>}, {transform_indices = @transform_5, window_bounds = array<i64: 2560, 128>}]} {
    %get3A = arith.constant 0 : index
    %get3A_0 = arith.constant 0 : index
    %get3A_1 = arith.constant 0 : index
    %get3A_2 = vector.load %arg1[%get3A, %get3A_0, %get3A_1] : memref<2x2560x128xf32, #tpu.memory_space<vmem>>, vector<1x2560x128xf32>
    %get3A_3 = vector.shape_cast %get3A_2 : vector<1x2560x128xf32> to vector<2560x128xf32>
    %get3A_4 = arith.constant 1 : index
    %get3A_5 = arith.constant 0 : index
    %get3A_6 = arith.constant 0 : index
    %get3A_7 = vector.load %arg1[%get3A_4, %get3A_5, %get3A_6] : memref<2x2560x128xf32, #tpu.memory_space<vmem>>, vector<1x2560x128xf32>
    %get3A_8 = vector.shape_cast %get3A_7 : vector<1x2560x128xf32> to vector<2560x128xf32>
    %add3A = arith.addf %get3A_3, %get3A_8 : vector<2560x128xf32>
    %get3A_9 = arith.constant 0 : index
    %get3A_10 = arith.constant 0 : index
    %get3A_11 = vector.load %arg2[%get3A_9, %get3A_10] : memref<2560x128xf32, #tpu.memory_space<vmem>>, vector<2560x128xf32>
    %add3A_12 = arith.addf %add3A, %get3A_11 : vector<2560x128xf32>
    %get3A_13 = arith.constant 0 : index
    %get3A_14 = arith.constant 0 : index
    %get3A_15 = vector.load %arg3[%get3A_13, %get3A_14] : memref<2560x1xf32, #tpu.memory_space<vmem>>, vector<2560x1xf32>
    %mul3A = vector.broadcast %get3A_15 : vector<2560x1xf32> to vector<2560x128xf32>
    %mul3A_16 = arith.mulf %add3A_12, %mul3A : vector<2560x128xf32>
    %get3A_17 = arith.constant 0 : index
    %get3A_18 = arith.constant 0 : index
    %get3A_19 = vector.load %arg4[%get3A_17, %get3A_18] : memref<1x128xf32, #tpu.memory_space<vmem>>, vector<1x128xf32>
    %add3A_20 = vector.broadcast %get3A_19 : vector<1x128xf32> to vector<2560x128xf32>
    %add3A_21 = arith.addf %mul3A_16, %add3A_20 : vector<2560x128xf32>
    %max3A = arith.constant 0.000000e+00 : f32
    %max3A_22 = vector.broadcast %max3A : f32 to vector<2560x128xf32>
    %max3A_23 = arith.maximumf %add3A_21, %max3A_22 : vector<2560x128xf32>
    %get3A_24 = arith.constant 0 : index
    %get3A_25 = arith.constant 0 : index
    %get3A_26 = vector.load %arg5[%get3A_24, %get3A_25] : memref<128x128xf32, #tpu.memory_space<vmem>>, vector<128x128xf32>
    %dot_general3A = arith.constant dense<0.000000e+00> : vector<2560x128xf32>
    %dot_general3A_27 = tpu.matmul %max3A_23, %get3A_26, %dot_general3A {dimension_numbers = #tpu.dot_dimension_numbers<[1], [0], [0], [1], [0, 0, 1, 1], [], []>, transpose_lhs_hint = false} : vector<2560x128xf32>, vector<128x128xf32>, vector<2560x128xf32> -> vector<2560x128xf32>
    %get3A_28 = arith.constant 0 : index
    %get3A_29 = arith.constant 0 : index
    %get3A_30 = vector.load %arg3[%get3A_28, %get3A_29] : memref<2560x1xf32, #tpu.memory_space<vmem>>, vector<2560x1xf32>
    %mul3A_31 = vector.broadcast %get3A_30 : vector<2560x1xf32> to vector<2560x128xf32>
    %mul3A_32 = arith.mulf %dot_general3A_27, %mul3A_31 : vector<2560x128xf32>
    %swap3A = arith.constant 0 : index
    %swap3A_33 = arith.constant 0 : index
    %swap3A_34 = vector.load %arg6[%swap3A, %swap3A_33] : memref<2560x128xf32, #tpu.memory_space<vmem>>, vector<2560x128xf32>
    tpu.vector_store %arg6[%swap3A, %swap3A_33], %mul3A_32 {strides = array<i32>} : memref<2560x128xf32, #tpu.memory_space<vmem>>, vector<2560x128xf32>,
    return
  }
  func.func @transform_0(%arg0: i32) -> (i32, i32, i32) {
    %c0_i32 = arith.constant 0 : i32
    %c0_i32_0 = arith.constant 0 : i32
    %c0_i32_1 = arith.constant 0 : i32
    return %c0_i32, %arg0, %c0_i32_0 : i32, i32, i32
  }
  func.func @transform_1(%arg0: i32) -> (i32, i32) {
    %c0_i32 = arith.constant 0 : i32
    %c0_i32_0 = arith.constant 0 : i32
    return %arg0, %c0_i32 : i32, i32
  }
  func.func @transform_2(%arg0: i32) -> (i32, i32) {
    %c0_i32 = arith.constant 0 : i32
    %c0_i32_0 = arith.constant 0 : i32
    return %arg0, %c0_i32 : i32, i32
  }
  func.func @transform_3(%arg0: i32) -> (i32, i32) {
    %c0_i32 = arith.constant 0 : i32
    %c0_i32_0 = arith.constant 0 : i32
    %c0_i32_1 = arith.constant 0 : i32
    return %c0_i32, %c0_i32_0 : i32, i32
  }
  func.func @transform_4(%arg0: i32) -> (i32, i32) {
    %c0_i32 = arith.constant 0 : i32
    %c0_i32_0 = arith.constant 0 : i32
    %c0_i32_1 = arith.constant 0 : i32
    return %c0_i32, %c0_i32_0 : i32, i32
  }
  func.func @transform_5(%arg0: i32) -> (i32, i32) {
    %c0_i32 = arith.constant 0 : i32
    %c0_i32_0 = arith.constant 0 : i32
    return %arg0, %c0_i32 : i32, i32
  }
}

module attributes {stable_mosaic.version = 14 : i64} {
  func.func @_fin_body(%arg0: i32, %arg1: memref<2x2560x128xf32, #tpu.memory_space<vmem>>, %arg2: memref<2560x128xf32, #tpu.memory_space<vmem>>, %arg3: memref<2560x1xf32, #tpu.memory_space<vmem>>, %arg4: memref<1x128xf32, #tpu.memory_space<vmem>>, %arg5: memref<8x2560xi32, #tpu.memory_space<vmem>>, %arg6: memref<128x128xf32, #tpu.memory_space<vmem>>, %arg7: memref<1x128xf32, #tpu.memory_space<vmem>>, %arg8: memref<64x128xf32, #tpu.memory_space<vmem>>, %arg9: memref<64x128xf32, #tpu.memory_space<vmem>>, %arg10: memref<64x1xf32, #tpu.memory_space<vmem>>) attributes {dimension_semantics = [#tpu.dimension_semantics<arbitrary>], iteration_bounds = array<i64: 4>, scalar_prefetch = 0 : i64, scratch_operands = 2 : i64, tpu.core_type = #tpu.core_type<tc>, window_params = [{transform_indices = @transform_0, window_bounds = array<i64: 2, 2560, 128>}, {transform_indices = @transform_1, window_bounds = array<i64: 2560, 128>}, {transform_indices = @transform_2, window_bounds = array<i64: 2560, 1>}, {pipeline_mode = #tpu.pipeline_mode<synchronous>, transform_indices = @transform_3, window_bounds = array<i64: 1, 128>}, {transform_indices = @transform_4, window_bounds = array<i64: 8, 2560>}, {pipeline_mode = #tpu.pipeline_mode<synchronous>, transform_indices = @transform_5, window_bounds = array<i64: 128, 128>}, {pipeline_mode = #tpu.pipeline_mode<synchronous>, transform_indices = @transform_6, window_bounds = array<i64: 1, 128>}, {pipeline_mode = #tpu.pipeline_mode<synchronous>, transform_indices = @transform_7, window_bounds = array<i64: 64, 128>}]} {
    %eq3A = arith.constant 0 : i32
    %eq3A_0 = arith.cmpi eq, %arg0, %eq3A : i32
    %convert_element_type3A = arith.extui %eq3A_0 : i1 to i32
    %cond3A = arith.constant 0 : i32
    %cond3A_1 = arith.cmpi ne, %convert_element_type3A, %cond3A : i32
    scf.if %cond3A_1 {
      %broadcast_in_dim3A_54 = arith.constant 0.000000e+00 : f32
      %broadcast_in_dim3A_55 = vector.broadcast %broadcast_in_dim3A_54 : f32 to vector<64x128xf32>
      %swap3A_56 = arith.constant 0 : index
      %swap3A_57 = arith.constant 0 : index
      %swap3A_58 = vector.load %arg9[%swap3A_56, %swap3A_57] : memref<64x128xf32, #tpu.memory_space<vmem>>, vector<64x128xf32>
      tpu.vector_store %arg9[%swap3A_56, %swap3A_57], %broadcast_in_dim3A_55 {strides = array<i32>} : memref<64x128xf32, #tpu.memory_space<vmem>>, vector<64x128xf32>,
      %broadcast_in_dim3A_59 = arith.constant 0.000000e+00 : f32
      %broadcast_in_dim3A_60 = vector.broadcast %broadcast_in_dim3A_59 : f32 to vector<64x1xf32>
      %swap3A_61 = arith.constant 0 : index
      %swap3A_62 = arith.constant 0 : index
      %swap3A_63 = vector.load %arg10[%swap3A_61, %swap3A_62] : memref<64x1xf32, #tpu.memory_space<vmem>>, vector<64x1xf32>
      tpu.vector_store %arg10[%swap3A_61, %swap3A_62], %broadcast_in_dim3A_60 {strides = array<i32>} : memref<64x1xf32, #tpu.memory_space<vmem>>, vector<64x1xf32>,
    } else {
    }
    %get3A = arith.constant 0 : index
    %get3A_2 = arith.constant 0 : index
    %get3A_3 = arith.constant 0 : index
    %get3A_4 = vector.load %arg1[%get3A, %get3A_2, %get3A_3] : memref<2x2560x128xf32, #tpu.memory_space<vmem>>, vector<1x2560x128xf32>
    %get3A_5 = vector.shape_cast %get3A_4 : vector<1x2560x128xf32> to vector<2560x128xf32>
    %get3A_6 = arith.constant 1 : index
    %get3A_7 = arith.constant 0 : index
    %get3A_8 = arith.constant 0 : index
    %get3A_9 = vector.load %arg1[%get3A_6, %get3A_7, %get3A_8] : memref<2x2560x128xf32, #tpu.memory_space<vmem>>, vector<1x2560x128xf32>
    %get3A_10 = vector.shape_cast %get3A_9 : vector<1x2560x128xf32> to vector<2560x128xf32>
    %add3A = arith.addf %get3A_5, %get3A_10 : vector<2560x128xf32>
    %get3A_11 = arith.constant 0 : index
    %get3A_12 = arith.constant 0 : index
    %get3A_13 = vector.load %arg2[%get3A_11, %get3A_12] : memref<2560x128xf32, #tpu.memory_space<vmem>>, vector<2560x128xf32>
    %add3A_14 = arith.addf %add3A, %get3A_13 : vector<2560x128xf32>
    %get3A_15 = arith.constant 0 : index
    %get3A_16 = arith.constant 0 : index
    %get3A_17 = vector.load %arg3[%get3A_15, %get3A_16] : memref<2560x1xf32, #tpu.memory_space<vmem>>, vector<2560x1xf32>
    %mul3A = vector.broadcast %get3A_17 : vector<2560x1xf32> to vector<2560x128xf32>
    %mul3A_18 = arith.mulf %add3A_14, %mul3A : vector<2560x128xf32>
    %get3A_19 = arith.constant 0 : index
    %get3A_20 = arith.constant 0 : index
    %get3A_21 = vector.load %arg4[%get3A_19, %get3A_20] : memref<1x128xf32, #tpu.memory_space<vmem>>, vector<1x128xf32>
    %add3A_22 = vector.broadcast %get3A_21 : vector<1x128xf32> to vector<2560x128xf32>
    %add3A_23 = arith.addf %mul3A_18, %add3A_22 : vector<2560x128xf32>
    %max3A = arith.constant 0.000000e+00 : f32
    %max3A_24 = vector.broadcast %max3A : f32 to vector<2560x128xf32>
    %max3A_25 = arith.maximumf %add3A_23, %max3A_24 : vector<2560x128xf32>
    %iota3A = tpu.iota {dimensions = array<i32: 0>} : vector<64x1xi32>
    %get3A_26 = arith.constant 0 : index
    %get3A_27 = arith.constant 0 : index
    %get3A_28 = vector.load %arg5[%get3A_26, %get3A_27] : memref<8x2560xi32, #tpu.memory_space<vmem>>, vector<1x2560xi32>
    %eq3A_29 = vector.broadcast %iota3A : vector<64x1xi32> to vector<64x2560xi32>
    %eq3A_30 = vector.broadcast %get3A_28 : vector<1x2560xi32> to vector<64x2560xi32>
    %eq3A_31 = arith.cmpi eq, %eq3A_29, %eq3A_30 : vector<64x2560xi32>
    %convert_element_type3A_32 = arith.extui %eq3A_31 : vector<64x2560xi1> to vector<64x2560xi32>
    %convert_element_type3A_33 = arith.sitofp %convert_element_type3A_32 : vector<64x2560xi32> to vector<64x2560xf32>
    %get3A_34 = arith.constant 0 : index
    %get3A_35 = arith.constant 0 : index
    %get3A_36 = vector.load %arg9[%get3A_34, %get3A_35] : memref<64x128xf32, #tpu.memory_space<vmem>>, vector<64x128xf32>
    %dot_general3A = arith.constant dense<0.000000e+00> : vector<64x128xf32>
    %dot_general3A_37 = tpu.matmul %convert_element_type3A_33, %max3A_25, %dot_general3A {dimension_numbers = #tpu.dot_dimension_numbers<[1], [0], [0], [1], [0, 0, 1, 1], [], []>, transpose_lhs_hint = false} : vector<64x2560xf32>, vector<2560x128xf32>, vector<64x128xf32> -> vector<64x128xf32>
    %add3A_38 = arith.addf %get3A_36, %dot_general3A_37 : vector<64x128xf32>
    %swap3A = arith.constant 0 : index
    %swap3A_39 = arith.constant 0 : index
    %swap3A_40 = vector.load %arg9[%swap3A, %swap3A_39] : memref<64x128xf32, #tpu.memory_space<vmem>>, vector<64x128xf32>
    tpu.vector_store %arg9[%swap3A, %swap3A_39], %add3A_38 {strides = array<i32>} : memref<64x128xf32, #tpu.memory_space<vmem>>, vector<64x128xf32>,
    %get3A_41 = arith.constant 0 : index
    %get3A_42 = arith.constant 0 : index
    %get3A_43 = vector.load %arg10[%get3A_41, %get3A_42] : memref<64x1xf32, #tpu.memory_space<vmem>>, vector<64x1xf32>
    %reduce_sum3A = arith.constant dense<0.000000e+00> : vector<64xf32>
    %reduce_sum3A_44 = vector.multi_reduction <add>, %convert_element_type3A_33, %reduce_sum3A [1] : vector<64x2560xf32> to vector<64xf32>
    %broadcast_in_dim3A = vector.shape_cast %reduce_sum3A_44 : vector<64xf32> to vector<64x1xf32>
    %add3A_45 = arith.addf %get3A_43, %broadcast_in_dim3A : vector<64x1xf32>
    %swap3A_46 = arith.constant 0 : index
    %swap3A_47 = arith.constant 0 : index
    %swap3A_48 = vector.load %arg10[%swap3A_46, %swap3A_47] : memref<64x1xf32, #tpu.memory_space<vmem>>, vector<64x1xf32>
    tpu.vector_store %arg10[%swap3A_46, %swap3A_47], %add3A_45 {strides = array<i32>} : memref<64x1xf32, #tpu.memory_space<vmem>>, vector<64x1xf32>,
    %eq3A_49 = arith.constant 3 : i32
    %eq3A_50 = arith.cmpi eq, %arg0, %eq3A_49 : i32
    %convert_element_type3A_51 = arith.extui %eq3A_50 : i1 to i32
    %cond3A_52 = arith.constant 0 : i32
    %cond3A_53 = arith.cmpi ne, %convert_element_type3A_51, %cond3A_52 : i32
    scf.if %cond3A_53 {
      %get3A_54 = arith.constant 0 : index
      %get3A_55 = arith.constant 0 : index
      %get3A_56 = vector.load %arg9[%get3A_54, %get3A_55] : memref<64x128xf32, #tpu.memory_space<vmem>>, vector<64x128xf32>
      %get3A_57 = arith.constant 0 : index
      %get3A_58 = arith.constant 0 : index
      %get3A_59 = vector.load %arg10[%get3A_57, %get3A_58] : memref<64x1xf32, #tpu.memory_space<vmem>>, vector<64x1xf32>
      %max3A_60 = arith.constant 1.000000e+00 : f32
      %max3A_61 = vector.broadcast %max3A_60 : f32 to vector<64x1xf32>
      %max3A_62 = arith.maximumf %get3A_59, %max3A_61 : vector<64x1xf32>
      %div3A = vector.broadcast %max3A_62 : vector<64x1xf32> to vector<64x128xf32>
      %div3A_63 = arith.divf %get3A_56, %div3A : vector<64x128xf32>
      %get3A_64 = arith.constant 0 : index
      %get3A_65 = arith.constant 0 : index
      %get3A_66 = vector.load %arg6[%get3A_64, %get3A_65] : memref<128x128xf32, #tpu.memory_space<vmem>>, vector<128x128xf32>
      %dot_general3A_67 = arith.constant dense<0.000000e+00> : vector<64x128xf32>
      %dot_general3A_68 = tpu.matmul %div3A_63, %get3A_66, %dot_general3A_67 {dimension_numbers = #tpu.dot_dimension_numbers<[1], [0], [0], [1], [0, 0, 1, 1], [], []>, transpose_lhs_hint = false} : vector<64x128xf32>, vector<128x128xf32>, vector<64x128xf32> -> vector<64x128xf32>
      %get3A_69 = arith.constant 0 : index
      %get3A_70 = arith.constant 0 : index
      %get3A_71 = vector.load %arg7[%get3A_69, %get3A_70] : memref<1x128xf32, #tpu.memory_space<vmem>>, vector<1x128xf32>
      %add3A_72 = vector.broadcast %get3A_71 : vector<1x128xf32> to vector<64x128xf32>
      %add3A_73 = arith.addf %dot_general3A_68, %add3A_72 : vector<64x128xf32>
      %swap3A_74 = arith.constant 0 : index
      %swap3A_75 = arith.constant 0 : index
      %swap3A_76 = vector.load %arg8[%swap3A_74, %swap3A_75] : memref<64x128xf32, #tpu.memory_space<vmem>>, vector<64x128xf32>
      tpu.vector_store %arg8[%swap3A_74, %swap3A_75], %add3A_73 {strides = array<i32>} : memref<64x128xf32, #tpu.memory_space<vmem>>, vector<64x128xf32>,
    } else {
    }
    return
  }
  func.func @transform_0(%arg0: i32) -> (i32, i32, i32) {
    %c0_i32 = arith.constant 0 : i32
    %c0_i32_0 = arith.constant 0 : i32
    %c0_i32_1 = arith.constant 0 : i32
    return %c0_i32, %arg0, %c0_i32_0 : i32, i32, i32
  }
  func.func @transform_1(%arg0: i32) -> (i32, i32) {
    %c0_i32 = arith.constant 0 : i32
    %c0_i32_0 = arith.constant 0 : i32
    return %arg0, %c0_i32 : i32, i32
  }
  func.func @transform_2(%arg0: i32) -> (i32, i32) {
    %c0_i32 = arith.constant 0 : i32
    %c0_i32_0 = arith.constant 0 : i32
    return %arg0, %c0_i32 : i32, i32
  }
  func.func @transform_3(%arg0: i32) -> (i32, i32) {
    %c0_i32 = arith.constant 0 : i32
    %c0_i32_0 = arith.constant 0 : i32
    %c0_i32_1 = arith.constant 0 : i32
    return %c0_i32, %c0_i32_0 : i32, i32
  }
  func.func @transform_4(%arg0: i32) -> (i32, i32) {
    %c0_i32 = arith.constant 0 : i32
    %c0_i32_0 = arith.constant 0 : i32
    return %c0_i32, %arg0 : i32, i32
  }
  func.func @transform_5(%arg0: i32) -> (i32, i32) {
    %c0_i32 = arith.constant 0 : i32
    %c0_i32_0 = arith.constant 0 : i32
    %c0_i32_1 = arith.constant 0 : i32
    return %c0_i32, %c0_i32_0 : i32, i32
  }
  func.func @transform_6(%arg0: i32) -> (i32, i32) {
    %c0_i32 = arith.constant 0 : i32
    %c0_i32_0 = arith.constant 0 : i32
    %c0_i32_1 = arith.constant 0 : i32
    return %c0_i32, %c0_i32_0 : i32, i32
  }
  func.func @transform_7(%arg0: i32) -> (i32, i32) {
    %c0_i32 = arith.constant 0 : i32
    %c0_i32_0 = arith.constant 0 : i32
    %c0_i32_1 = arith.constant 0 : i32
    return %c0_i32, %c0_i32_0 : i32, i32
  }
}

</mosaic_0001>

<sc_bundles>
// kernel: kernel.12.cloned.1.call-start
scs
__scs_entry_jumppad:
0x0: {  	(pc) =	sbr.rel $0x88, $3  }
0x1: {  	(tag) =	ssettag $0x0;
	lr =	simm.s32 $0x1  }
0x2: {  	[smem:$0x3F98] =	sst lr;
	_ =	strace $0xD0000000  }
0x3: {  	_ = 	snop  }
0x4: {  	_ = 	snop  }
0x5: {  	_ = 	snop  }
0x6: {  	_ = 	snop  }
0x7: {  	_ = 	snop  }
__scs_overlays_trampoline_lowered:
0x8: {  	[smem:$0x3FA7] =	sst s0  }
0x9: {  	[smem:$0x3FA8] =	sst s1  }
0xa: {  	[smem:$0x3FA9] =	sst s2  }
0xb: {  	[smem:$0x3FAA] =	sst s3  }
0xc: {  	[smem:$0x3FAB] =	sst s4  }
0xd: {  	[smem:$0x3FAC] =	sst s5  }
0xe: {  	[smem:$0x3FAD] =	sst s6  }
0xf: {  	[smem:$0x3FAE] =	sst s7  }
0x10: {  	[smem:$0x3FAF] =	sst s8  }
0x11: {  	[smem:$0x3FB0] =	sst s9;
	s0 =	simm.s32 @!p0 $0x0  }
0x12: {  	s1 =	sld [smem:$0x3F96];
	s0 =	simm.s32 @p0 $0x1  }
0x13: {  	[smem:$0x3FB1] =	sst s0;
	s0 =	simm.s32 @!p1 $0x0  }
0x14: {  	s2 =	sld [smem:$0x3F95];
	s0 =	simm.s32 @p1 $0x1  }
0x15: {  	[smem:$0x3FB2] =	sst s0;
	s0 =	simm.s32 @!p2 $0x0  }
0x16: {  	s3 =	sld [smem:$0x3FDB];
	s0 =	simm.s32 @p2 $0x1  }
0x17: {  	s4 =	simm.s32 $0x1BF5;
	[smem:$0x3FB4] =	sst s0  }
0x18: {  	s0 =	sld [smem:$0x3F97];
	_ =	swait.ge [sflag:s4], $0x0  }
0x19: {  	s7 =	sld [smem:$0x3F98]  }
0x1a: {  	s8 =	sadd.s32 $0xFFFFE003, lr  }
0x1b: {  	s9 =	sadd.s32 $0xFFFFFEF7, lr;
	s5 =	simm.s32 $0xFFFFFFFF;
	p2 =	slt.u32 s8, $0xFFFFF086  }
0x1c: {  	p1 =	slt.u32 s9, $0xF7A;
	s5 =	simm.s32 @!p2 $0x0  }
0x1d: {  	s5 =	simm.s32 @p1 $0x1;
	p0 =	seq.s32 s7, s2  }
0x1e: {  	s7 =	smul.u32 @!p0 $0xF7A, s2;
	p2 =	seq.s32 @!p0 s5, $0x0  }
0x1f: {  	s9 =	smul.u32 $0xF7A, s1;
	s8 =	simm.s32 @!p0 $0x1BF5;
	p2 =	por !p2, p0  }
0x20: {  	[sflag:s8] =	ssyncset.s32 @!p0 $0xFFFFF086;
	s6 =	sadd.s32 @!p0 s3, s7;
	s7 =	simm.s32 @!p0 $0x108  }
0x21: {  	s3 =	sadd.s32 s3, s9;
	s6 =	sadd.s32 @!p0 $0x88, s6;
	s7 =	simm.s32 @p2 $0x1082  }
0x22: {  	[simem:s7], [sflag:s8] =	dma.local @!p0 [hbm:s6], $0xF7A  }
0x23: {  	s9 =	sor.u32 $0xD0000000, s2;
	s6 =	simm.s32 $0x108;
	_ =	swait.ge @!p0 [sflag:s8], $0x0  }
0x24: {  	s3 =	sadd.s32 $0x88, s3;
	s6 =	simm.s32 @!p1 $0x1082;
	[sflag:s4] =	ssyncset.s32 $0xFFFFF086  }
0x25: {  	[simem:s6], [sflag:s4] =	dma.local [hbm:s3], $0xF7A  }
0x26: {  	[smem:$0x3F98] =	sst s1;
	(tag) =	ssettag s2;
	_ =	strace s9  }
0x27: {  	s1 =	sld [smem:$0x3FA8]  }
0x28: {  	s2 =	sld [smem:$0x3FA9]  }
0x29: {  	s4 =	sld [smem:$0x3FAB]  }
0x2a: {  	p0 =	seq.s32 s5, $0x0;
	s5 =	sld [smem:$0x3FAC]  }
0x2b: {  	s6 =	sld [smem:$0x3FAD]  }
0x2c: {  	s7 =	sld [smem:$0x3FAE]  }
0x2d: {  	s3 =	simm.s32 $0x108;
	s8 =	sld [smem:$0x3FAF]  }
0x2e: {  	s3 =	simm.s32 @!p0 $0x1082;
	s9 =	sld [smem:$0x3FB0]  }
0x2f: {  	lr =	sadd.s32 s0, s3;
	s0 =	sld [smem:$0x3FA7]  }
0x30: {  	s3 =	sld [smem:$0x3FAA]  }
0x31: {  	[smem:$0x3FB3] =	sst s10  }
0x32: {  	s10 =	sld [smem:$0x3FB1];
	_ =	sdelay $0x3  }
0x33: {  	p0 =	seq.s32 s10, $0x1;
	s10 =	sld [smem:$0x3FB3];
	_ =	sdelay $0x3  }
0x34: {  	[smem:$0x3FB3] =	sst s10  }
0x35: {  	s10 =	sld [smem:$0x3FB2];
	_ =	sdelay $0x3  }
0x36: {  	p1 =	seq.s32 s10, $0x1;
	s10 =	sld [smem:$0x3FB3];
	_ =	sdelay $0x3  }
0x37: {  	[smem:$0x3FB3] =	sst s10  }
0x38: {  	s10 =	sld [smem:$0x3FB4]  }
0x39: {  	_ = 	snop;
	(pc) =	sbr.ind lr, $3  }
0x3a: {  	_ = 	snop  }
0x3b: {  	_ = 	snop  }
0x3c: {  	p2 =	seq.s32 s10, $0x1;
	s10 =	sld [smem:$0x3FB3]  }
0x3d: {  	_ =	shalt  }
0x3e: {  	_ =	shalt  }
0x3f: {  	_ =	shalt  }
0x40: {  	_ =	shalt  }
0x41: {  	_ =	shalt  }
0x42: {  	_ =	shalt  }
0x43: {  	_ =	shalt  }
0x44: {  	_ =	shalt  }
0x45: {  	_ =	shalt  }
0x46: {  	_ =	shalt  }
0x47: {  	_ =	shalt  }
0x48: {  	_ =	shalt  }
0x49: {  	_ =	shalt  }
0x4a: {  	_ =	shalt  }
0x4b: {  	_ =	shalt  }
0x4c: {  	_ =	shalt  }
0x4d: {  	_ =	shalt  }
0x4e: {  	_ =	shalt  }
0x4f: {  	_ =	shalt  }
0x50: {  	_ =	shalt  }
0x51: {  	_ =	shalt  }
0x52: {  	_ =	shalt  }
0x53: {  	_ =	shalt  }
0x54: {  	_ =	shalt  }
0x55: {  	_ =	shalt  }
0x56: {  	_ =	shalt  }
0x57: {  	_ =	shalt  }
0x58: {  	_ =	shalt  }
0x59: {  	_ =	shalt  }
0x5a: {  	_ =	shalt  }
0x5b: {  	_ =	shalt  }
0x5c: {  	_ =	shalt  }
0x5d: {  	_ =	shalt  }
0x5e: {  	_ =	shalt  }
0x5f: {  	_ =	shalt  }
0x60: {  	_ =	shalt  }
0x61: {  	_ =	shalt  }
0x62: {  	_ =	shalt  }
0x63: {  	_ =	shalt  }
0x64: {  	_ =	shalt  }
0x65: {  	_ =	shalt  }
0x66: {  	_ =	shalt  }
0x67: {  	_ =	shalt  }
0x68: {  	_ =	shalt  }
0x69: {  	_ =	shalt  }
0x6a: {  	_ =	shalt  }
0x6b: {  	_ =	shalt  }
0x6c: {  	_ =	shalt  }
0x6d: {  	_ =	shalt  }
0x6e: {  	_ =	shalt  }
0x6f: {  	_ =	shalt  }
0x70: {  	_ =	shalt  }
0x71: {  	_ =	shalt  }
0x72: {  	_ =	shalt  }
0x73: {  	_ =	shalt  }
0x74: {  	_ =	shalt  }
0x75: {  	_ =	shalt  }
0x76: {  	_ =	shalt  }
0x77: {  	_ =	shalt  }
0x78: {  	_ =	shalt  }
0x79: {  	_ =	shalt  }
0x7a: {  	_ =	shalt  }
0x7b: {  	_ =	shalt  }
0x7c: {  	_ =	shalt  }
0x7d: {  	_ =	shalt  }
0x7e: {  	_ =	shalt  }
0x7f: {  	_ =	shalt  }
0x80: {  	_ =	shalt  }
0x81: {  	_ =	shalt  }
0x82: {  	_ =	shalt  }
0x83: {  	_ =	shalt  }
0x84: {  	_ =	shalt  }
0x85: {  	_ =	shalt  }
0x86: {  	_ =	shalt  }
0x87: {  	_ =	shalt  }
.Lfunc_end0:
.L_simem_size_0:
called_computation.1_lowered:
.L_overlay_start_0:
0x88: {  	s2 =	sld [smem:$0x3FD9]  }
0x89: {  	s3 =	sld [smem:$0x3FFE];
	_ =	sdelay $0x1  }
0x8a: {  	s1 =	srdreg.scid  }
0x8b: {  	s0 =	sand.u32 $0x1, s1  }
0x8c: {  	s16 =	sshll.u32 s0, $0xA;
	s2 =	sadd.s32 s3, s2  }
0x8d: {  	s2 =	sadd.s32 s2, s16  }
0x8e: {  	[smem:$0x3FBF] =	sst s2  }
0x8f: {  	_ = 	snop  }
0x90: {  	(tm) =	ssettm $0x1  }
0x91: {  	s17 =	sld [smem:$0x3FFB];
	_ =	sdelay $0x3  }
0x92: {  	_ =	strace s17  }
0x93: {  	s2 =	sld [smem:$0x3FFC];
	_ =	sdelay $0x3  }
0x94: {  	_ =	strace s2  }
0x95: {  	s2 =	sld [smem:$0x3FFD];
	_ =	sdelay $0x3  }
0x96: {  	_ =	strace s2  }
0x97: {  	_ =	strace $0x8FFFFFFF  }
0x98: {  	s18 =	sld [smem:$0x3FDB];
	_ =	sdelay $0x1  }
0x99: {  	s19 =	simm.s32 $_scs_section_size  }
0x9a: {  	s4 =	simm.s32 $_size__tile_overlayer_lowered;
	s5 =	simm.s32 $_tile_overlayer_lowered  }
0x9b: {  	s22 =	simm.s32 $0x1BFF;
	s21 =	sshll.u32 s5, $0x1;
	s2 =	sadd.s32 s19, s18  }
0x9c: {  	s6 =	simm.s32 $0x0;
	s20 =	sshll.u32 s4, $0x1;
	s4 =	sadd.s32 s21, s2  }
0x9d: {  	[timem:s6], [sflag:s22] =	dma.local [hbm:s4], s20  }
0x9e: {  	_ =	swait.ge [sflag:s22], s20  }
0x9f: {  	s3 =	ssub.s32 $0x0, s20;
	[sflag:s22] =	ssyncset.done $0x0  }
0xa0: {  	[sflag:s22] =	ssyncadd.s32 s3;
	_ =	sdelay $0x1  }
0xa1: {  	s23 =	simm.s32 $0x1B8B  }
0xa2: {  	_ =	swait.ge [sflag:s23], $0x1  }
0xa3: {  	[sflag:s23] =	ssyncset.done $0x0  }
0xa4: {  	s25 =	simm.s32 $0x1B8E;
	s24 =	sld [smem:$0x3FFE];
	[sflag:s23] =	ssyncadd.s32 $0xFFFFFFFF  }
0xa5: {  	s26 =	simm.s32 $execute0_lowered;
	[smem:$0x3FD2] =	sst s25  }
0xa6: {  	s4 =	sshll.u32 s26, $0x1;
	_ =	strace $0x80000049;
	[dreg:$0x1] =	wrdreg $0xFFFFFFFF  }
0xa7: {  	s28 =	simm.s32 $_size_execute0_lowered;
	s2 =	sadd.s32 s2, s4;
	[dreg:$0x0] =	wrdreg $0x0  }
0xa8: {  	s4 =	sshll.u32 s28, $0x1;
	[dreg:$0x2] =	wrdreg s2  }
0xa9: {  	[dreg:$0x3] =	wrdreg s4  }
0xaa: {  	[dreg:$0x4] =	wrdreg $0xC0  }
0xab: {  	_ =	task [dreg:s6], $0x5FFFF  }
0xac: {  	[dreg:$0x1] =	wrdreg $0xFFFFFFFF  }
0xad: {  	[dreg:$0x0] =	wrdreg $0x60  }
0xae: {  	[dreg:$0x2] =	wrdreg s24  }
0xaf: {  	[dreg:$0x3] =	wrdreg $0x41000  }
0xb0: {  	[dreg:$0x4] =	wrdreg $0x9  }
0xb1: {  	_ =	task.clear_ibuf [dreg:s6], $0x5FFFF;
	_ =	strace $0x90000049  }
0xb2: {  	s29 =	simm.s32 $0x9;
	_ =	strace $0x8000004B  }
0xb3: {  	_ =	swait.ge [sflag:s29], $0x1  }
0xb4: {  	[sflag:s29] =	ssyncadd.s32 $0xFFFFFFFF  }
0xb5: {  	_ =	strace $0x9000004B  }
0xb6: {  	_ =	sfence  }
0xb7: {  	s30 =	sld [smem:$0x0];
	_ =	sdelay $0x2  }
0xb8: {  	s31 =	sshll.u32 s1, $0xD;
	s1 =	sshrl.u32 s1, $0x2  }
0xb9: {  	s3 =	sand.u32 $0x4000, s31;
	s1 =	sadd.s32 s1, s30  }
0xba: {  	s0 =	sor.u32 s3, s0;
	s1 =	sshll.u32 s1, $0x11  }
0xbb: {  	s0 =	sor.u32 s1, s0  }
0xbc: {  	s0 =	sadd.s32 $0x8F2B, s0  }
0xbd: {  	[sflag:s0] =	ssyncadd.remote.s32 $0x1  }
0xbe: {  	_ =	sfence.sel $0xFFFF  }
0xbf: {  	[dreg:$0x0] =	wrdreg $0xFFFFFFFF;
	(pc) =	sbr.abs _section_cstart, $3  }
0xc0: {  	[dreg:$0x1] =	wrdreg $0xFFFFFFFF  }
0xc1: {  	_ =	task.clear_ibuf [dreg:s6], $0x2FFFF;
	_ =	strace $0x9FFFFFFF  }
0xc2: {  	(tm) =	ssettm $0x7FFFFFFF  }
0xc3: {  	_ =	shalt  }
tec
execute0_lowered:
.L_overlay_start_1:
0x0: {  	(tag) =	ssettag $0x1  }
0x1: {  	s6 =	rddreg [dreg:$0x0];
	s0 =	srdreg.scid  }
0x2: {  	s2 =	rddreg [dreg:$0x1];
	s1 =	stileid.u32;
	s3 =	simm.s32 $0x0  }
0x3: {  	s14 =	simm.s32 $0x100;
	s15 =	simm.s32 $0x1;
	s8 =	smul.u32 $0x14000, s1  }
0x4: {  	s7 =	sand.u32 $0x1, s0;
	s0 =	rddreg [dreg:$0x2];
	s9 =	smul.u32 $0x9E0, s1  }
0x5: {  	s16 =	simm.s32 $0x0;
	[smem:$0x7FF] =	sst s3;
	s10 =	smul.u32 $0x50000, s1  }
0x6: {  	s4 =	sadd.s32 $0xEE00, s6;
	s30 =	sshll.u32 s1, $0x6;
	s5 =	smul.u32 $0x140000, s7  }
0x7: {  	_ =	strace $0x8000004A;
	s29 =	ssub.s32 $0x2, s7;
	s12 =	smul.u32 $0x4F0, s7  }
0x8: {  	s26 =	sadd.s32 s9, s6;
	s11 =	sshrl.u32 s29, $0x1;
	s10 =	sshrl.u32 s10, $0x2  }
0x9: {  	s5 =	sadd.s32 s8, s5;
	s11 =	ssub.s32 s29, s11;
	s13 =	sadd.s32 s10, s2  }
0xa: {  	s31 =	sadd.s32 s12, s26;
	s12 =	simm.s32 $0x2;
	s28 =	sshrl.u32 s5, $0x3  }
0xb: {  	s5 =	sadd.s32 $0xC600, s6;
	s8 =	smax.u32 s11, $0x1;
	s10 =	sadd.s32 $0x69400, s31  }
0xc: {  	s11 =	sshrl.u32 s13, $0x3;
	s13 =	simm.s32 $0x80;
	s9 =	sadd.s32 s28, s6  }
0xd: {  	s6 =	sor.u32 $0x1C02, s30;
	s7 =	sadd.s32 $0x73200, s9;
	s9 =	sadd.s32 $0x5F600, s31  }
.LBB2_1:
0xe: {  	[spmem:s11], [sflag:s6] =	dma.local [hbm:s5], $0x2800  }
0xf: {  	_ =	swait.ge [sflag:s12], $0x2800  }
0x10: {  	[sflag:s12] =	ssyncset.done $0x0  }
0x11: {  	[sflag:s12] =	ssyncadd.s32 $0xFFFFD800  }
0x12: {  	s17 =	sadd.s32 $0x0, s10;
	[bflag:$0x0] =	sbarrier.arrive $0xFFFF  }
0x13: {  	[tilespmem:s3], [sflag:$0x2] =	stream.linear.gather [hbm4b:s17+s3], $0x80, $0x38;
	[tilespmem:$0x18100] =	vst v63  }
0x14: {  	_ =	swait.ge [sflag:s12], $0x80  }
0x15: {  	[sflag:s12] =	ssyncset.done $0x0  }
0x16: {  	s31 =	sadd.s32 $0x0, s9;
	[sflag:s12] =	ssyncadd.s32 $0xFFFFFF80  }
0x17: {  	[tilespmem:s13], [sflag:$0x2] =	stream.linear.gather [hbm4b:s31+s3], $0x80, $0x38;
	[tilespmem:$0x18100] =	vst v63  }
0x18: {  	_ =	swait.ge [sflag:s12], $0x80  }
0x19: {  	[sflag:s12] =	ssyncset.done $0x0  }
0x1a: {  	[sflag:s12] =	ssyncadd.s32 $0xFFFFFF80  }
0x1b: {  	[tilespmem:s14], [sflag:$0x1] =	stream.indirect.gather [hbm4b:s4+s13], $0x80, s3, s13, $0xb8;
	[tilespmem:$0x18100] =	vst v63  }
0x1c: {  	_ =	swait.ge [sflag:s15], $0x4000  }
0x1d: {  	[sflag:s15] =	ssyncset.done $0x0  }
0x1e: {  	[sflag:s15] =	ssyncadd.s32 $0xFFFFC000  }
0x1f: {  	[spmem:s2] =	stream.indirect.scatter.add.f32 [tilespmem:s14], [sflag:$0x2], $0x80, s13, s13, $0xb8;
	[tilespmem:$0x18100] =	vst v63  }
0x20: {  	_ =	swait.ge [sflag:s12], $0x4000  }
0x21: {  	s18 =	simm.s32 $0x20;
	s17 =	simm.s32 $0x10;
	[sflag:s12] =	ssyncset.done $0x0  }
.LBB2_2:
0x22: {  	s19 =	sadd.s32 s17, s10  }
0x23: {  	[sflag:s12] =	ssyncadd.s32 $0xFFFFC000;
	s20 =	smov.u32 s18;
	s21 =	sadd.s32 $0x10, s18  }
0x24: {  	[tilespmem:s3], [sflag:$0x2] =	stream.linear.gather [hbm4b:s19+s3], $0x80, $0x38;
	[tilespmem:$0x18100] =	vst v63  }
0x25: {  	p0 =	sne.s32 s18, $0x4E0;
	_ =	swait.ge [sflag:s12], $0x80  }
0x26: {  	[sflag:s12] =	ssyncset.done $0x0  }
0x27: {  	s18 =	sadd.s32 s17, s9;
	s17 =	smov.u32 s20;
	[sflag:s12] =	ssyncadd.s32 $0xFFFFFF80  }
0x28: {  	[tilespmem:s13], [sflag:$0x2] =	stream.linear.gather [hbm4b:s18+s3], $0x80, $0x38;
	[tilespmem:$0x18100] =	vst v63  }
0x29: {  	_ =	swait.ge [sflag:s12], $0x80  }
0x2a: {  	[sflag:s12] =	ssyncset.done $0x0  }
0x2b: {  	[sflag:s12] =	ssyncadd.s32 $0xFFFFFF80  }
0x2c: {  	[tilespmem:s14], [sflag:$0x1] =	stream.indirect.gather [hbm4b:s4+s13], $0x80, s3, s13, $0xb8;
	[tilespmem:$0x18100] =	vst v63  }
0x2d: {  	_ =	swait.ge [sflag:s15], $0x4000  }
.Ltmp0:
0x2e: {  	[sflag:s15] =	ssyncset.done $0x0;
	(pc) =	sbr.rel @p0 .LBB2_2-.Ltmp0, $4  }
0x2f: {  	[sflag:s15] =	ssyncadd.s32 $0xFFFFC000  }
0x30: {  	[spmem:s2] =	stream.indirect.scatter.add.f32 [tilespmem:s14], [sflag:$0x2], $0x80, s13, s13, $0xb8;
	[tilespmem:$0x18100] =	vst v63  }
0x31: {  	_ =	swait.ge [sflag:s12], $0x4000  }
0x32: {  	s18 =	smov.u32 s21;
	[sflag:s12] =	ssyncset.done $0x0  }
0x33: {  	s18 =	sadd.s32 s17, s10;
	[sflag:s12] =	ssyncadd.s32 $0xFFFFC000  }
0x34: {  	[tilespmem:s3], [sflag:$0x2] =	stream.linear.gather [hbm4b:s18+s3], $0x80, $0x38;
	[tilespmem:$0x18100] =	vst v63  }
0x35: {  	_ =	swait.ge [sflag:s12], $0x80  }
0x36: {  	[sflag:s12] =	ssyncset.done $0x0  }
0x37: {  	s31 =	sadd.s32 s17, s9;
	[sflag:s12] =	ssyncadd.s32 $0xFFFFFF80  }
0x38: {  	[tilespmem:s13], [sflag:$0x2] =	stream.linear.gather [hbm4b:s31+s3], $0x80, $0x38;
	[tilespmem:$0x18100] =	vst v63  }
0x39: {  	_ =	swait.ge [sflag:s12], $0x80  }
0x3a: {  	[sflag:s12] =	ssyncset.done $0x0  }
0x3b: {  	[sflag:s12] =	ssyncadd.s32 $0xFFFFFF80  }
0x3c: {  	[tilespmem:s14], [sflag:$0x1] =	stream.indirect.gather [hbm4b:s4+s13], $0x80, s3, s13, $0xb8;
	[tilespmem:$0x18100] =	vst v63  }
0x3d: {  	_ =	swait.ge [sflag:s15], $0x4000  }
0x3e: {  	[sflag:s15] =	ssyncset.done $0x0  }
0x3f: {  	[sflag:s15] =	ssyncadd.s32 $0xFFFFC000  }
0x40: {  	[spmem:s2] =	stream.indirect.scatter.add.f32 [tilespmem:s14], [sflag:$0x2], $0x80, s13, s13, $0xb8;
	[tilespmem:$0x18100] =	vst v63  }
0x41: {  	_ =	swait.ge [sflag:s12], $0x4000  }
0x42: {  	s16 =	sadd.s32 $0x1, s16;
	[sflag:s12] =	ssyncset.done $0x0  }
0x43: {  	p0 =	sne.s32 s16, s8;
	[sflag:s12] =	ssyncadd.s32 $0xFFFFC000  }
.Ltmp1:
0x44: {  	[bflag:$0x0] =	sbarrier.arrive $0xFFFF;
	(pc) =	sbr.rel @p0 .LBB2_1-.Ltmp1, $4  }
0x45: {  	[hbm:s7], [sflag:s6] =	dma.local [spmem:s11], $0x2800  }
0x46: {  	_ =	swait.ge [sflag:s12], $0x2800  }
0x47: {  	[sflag:s12] =	ssyncset.done $0x0  }
0x48: {  	[sflag:s12] =	ssyncadd.s32 $0xFFFFD800  }
0x49: {  	_ =	sfence.sel $0x180000  }
0x4a: {  	[bflag:$0x0] =	sbarrier.arrive $0xFFFF  }
0x4b: {  	p0 =	sne.s32 s1, $0x0;
	_ =	strace $0x9000004A  }
0x4c: {  	s0 =	sadd.s32 @!p0 $0x100000, s0;
	[bflag:$0x2] =	sbarrier.arrive $0xFFFF  }
0x4d: {  	[sflag:s0] =	ssyncadd.tile.s32 @!p0 $0x1;
	_ =	shalt  }
.Lfunc_end2:
_tile_overlayer_lowered:
.L_overlay_start_2:
0x4e: {  	(tag) =	ssettag $0x2  }
0x4f: {  	s0 =	rddreg [dreg:$0x0];
	s2 =	stileid.u32  }
0x50: {  	s1 =	rddreg [dreg:$0x1];
	p0 =	sne.s32 s2, $0x0  }
0x51: {  	s3 =	rddreg [dreg:$0x2];
	[bflag:$0x3] =	sbarrier.arrive $0xFFFF;
	s2 =	simm.s32 @!p0 $0x1C02  }
0x52: {  	[timem:s3], [sflag:s2] =	dma.local @!p0 [hbm:s0], s1  }
0x53: {  	s0 =	simm.s32 @!p0 $0x2  }
0x54: {  	_ =	swait.ge @!p0 [sflag:s0], s1  }
0x55: {  	s1 =	ssub.s32 @!p0 $0x0, s1;
	[sflag:s0] =	ssyncset.done @!p0 $0x0  }
0x56: {  	[sflag:s0] =	ssyncadd.s32 @!p0 s1  }
0x57: {  	[bflag:$0x3] =	sbarrier.arrive $0xFFFF  }
0x58: {  	_ =	shalt  }

// kernel: kernel.15.cloned.1.call-start
scs
__scs_entry_jumppad:
0x0: {  	(pc) =	sbr.rel $0x88, $3  }
0x1: {  	(tag) =	ssettag $0x0;
	lr =	simm.s32 $0x1  }
0x2: {  	[smem:$0x3F98] =	sst lr;
	_ =	strace $0xD0000000  }
0x3: {  	_ = 	snop  }
0x4: {  	_ = 	snop  }
0x5: {  	_ = 	snop  }
0x6: {  	_ = 	snop  }
0x7: {  	_ = 	snop  }
__scs_overlays_trampoline_lowered:
0x8: {  	[smem:$0x3FA7] =	sst s0  }
0x9: {  	[smem:$0x3FA8] =	sst s1  }
0xa: {  	[smem:$0x3FA9] =	sst s2  }
0xb: {  	[smem:$0x3FAA] =	sst s3  }
0xc: {  	[smem:$0x3FAB] =	sst s4  }
0xd: {  	[smem:$0x3FAC] =	sst s5  }
0xe: {  	[smem:$0x3FAD] =	sst s6  }
0xf: {  	[smem:$0x3FAE] =	sst s7  }
0x10: {  	[smem:$0x3FAF] =	sst s8  }
0x11: {  	[smem:$0x3FB0] =	sst s9;
	s0 =	simm.s32 @!p0 $0x0  }
0x12: {  	s1 =	sld [smem:$0x3F96];
	s0 =	simm.s32 @p0 $0x1  }
0x13: {  	[smem:$0x3FB1] =	sst s0;
	s0 =	simm.s32 @!p1 $0x0  }
0x14: {  	s2 =	sld [smem:$0x3F95];
	s0 =	simm.s32 @p1 $0x1  }
0x15: {  	[smem:$0x3FB2] =	sst s0;
	s0 =	simm.s32 @!p2 $0x0  }
0x16: {  	s3 =	sld [smem:$0x3FDB];
	s0 =	simm.s32 @p2 $0x1  }
0x17: {  	s4 =	simm.s32 $0x1BF5;
	[smem:$0x3FB4] =	sst s0  }
0x18: {  	s0 =	sld [smem:$0x3F97];
	_ =	swait.ge [sflag:s4], $0x0  }
0x19: {  	s7 =	sld [smem:$0x3F98]  }
0x1a: {  	s8 =	sadd.s32 $0xFFFFE003, lr  }
0x1b: {  	s9 =	sadd.s32 $0xFFFFFEF7, lr;
	s5 =	simm.s32 $0xFFFFFFFF;
	p2 =	slt.u32 s8, $0xFFFFF086  }
0x1c: {  	p1 =	slt.u32 s9, $0xF7A;
	s5 =	simm.s32 @!p2 $0x0  }
0x1d: {  	s5 =	simm.s32 @p1 $0x1;
	p0 =	seq.s32 s7, s2  }
0x1e: {  	s7 =	smul.u32 @!p0 $0xF7A, s2;
	p2 =	seq.s32 @!p0 s5, $0x0  }
0x1f: {  	s9 =	smul.u32 $0xF7A, s1;
	s8 =	simm.s32 @!p0 $0x1BF5;
	p2 =	por !p2, p0  }
0x20: {  	[sflag:s8] =	ssyncset.s32 @!p0 $0xFFFFF086;
	s6 =	sadd.s32 @!p0 s3, s7;
	s7 =	simm.s32 @!p0 $0x108  }
0x21: {  	s3 =	sadd.s32 s3, s9;
	s6 =	sadd.s32 @!p0 $0x88, s6;
	s7 =	simm.s32 @p2 $0x1082  }
0x22: {  	[simem:s7], [sflag:s8] =	dma.local @!p0 [hbm:s6], $0xF7A  }
0x23: {  	s9 =	sor.u32 $0xD0000000, s2;
	s6 =	simm.s32 $0x108;
	_ =	swait.ge @!p0 [sflag:s8], $0x0  }
0x24: {  	s3 =	sadd.s32 $0x88, s3;
	s6 =	simm.s32 @!p1 $0x1082;
	[sflag:s4] =	ssyncset.s32 $0xFFFFF086  }
0x25: {  	[simem:s6], [sflag:s4] =	dma.local [hbm:s3], $0xF7A  }
0x26: {  	[smem:$0x3F98] =	sst s1;
	(tag) =	ssettag s2;
	_ =	strace s9  }
0x27: {  	s1 =	sld [smem:$0x3FA8]  }
0x28: {  	s2 =	sld [smem:$0x3FA9]  }
0x29: {  	s4 =	sld [smem:$0x3FAB]  }
0x2a: {  	p0 =	seq.s32 s5, $0x0;
	s5 =	sld [smem:$0x3FAC]  }
0x2b: {  	s6 =	sld [smem:$0x3FAD]  }
0x2c: {  	s7 =	sld [smem:$0x3FAE]  }
0x2d: {  	s3 =	simm.s32 $0x108;
	s8 =	sld [smem:$0x3FAF]  }
0x2e: {  	s3 =	simm.s32 @!p0 $0x1082;
	s9 =	sld [smem:$0x3FB0]  }
0x2f: {  	lr =	sadd.s32 s0, s3;
	s0 =	sld [smem:$0x3FA7]  }
0x30: {  	s3 =	sld [smem:$0x3FAA]  }
0x31: {  	[smem:$0x3FB3] =	sst s10  }
0x32: {  	s10 =	sld [smem:$0x3FB1];
	_ =	sdelay $0x3  }
0x33: {  	p0 =	seq.s32 s10, $0x1;
	s10 =	sld [smem:$0x3FB3];
	_ =	sdelay $0x3  }
0x34: {  	[smem:$0x3FB3] =	sst s10  }
0x35: {  	s10 =	sld [smem:$0x3FB2];
	_ =	sdelay $0x3  }
0x36: {  	p1 =	seq.s32 s10, $0x1;
	s10 =	sld [smem:$0x3FB3];
	_ =	sdelay $0x3  }
0x37: {  	[smem:$0x3FB3] =	sst s10  }
0x38: {  	s10 =	sld [smem:$0x3FB4]  }
0x39: {  	_ = 	snop;
	(pc) =	sbr.ind lr, $3  }
0x3a: {  	_ = 	snop  }
0x3b: {  	_ = 	snop  }
0x3c: {  	p2 =	seq.s32 s10, $0x1;
	s10 =	sld [smem:$0x3FB3]  }
0x3d: {  	_ =	shalt  }
0x3e: {  	_ =	shalt  }
0x3f: {  	_ =	shalt  }
0x40: {  	_ =	shalt  }
0x41: {  	_ =	shalt  }
0x42: {  	_ =	shalt  }
0x43: {  	_ =	shalt  }
0x44: {  	_ =	shalt  }
0x45: {  	_ =	shalt  }
0x46: {  	_ =	shalt  }
0x47: {  	_ =	shalt  }
0x48: {  	_ =	shalt  }
0x49: {  	_ =	shalt  }
0x4a: {  	_ =	shalt  }
0x4b: {  	_ =	shalt  }
0x4c: {  	_ =	shalt  }
0x4d: {  	_ =	shalt  }
0x4e: {  	_ =	shalt  }
0x4f: {  	_ =	shalt  }
0x50: {  	_ =	shalt  }
0x51: {  	_ =	shalt  }
0x52: {  	_ =	shalt  }
0x53: {  	_ =	shalt  }
0x54: {  	_ =	shalt  }
0x55: {  	_ =	shalt  }
0x56: {  	_ =	shalt  }
0x57: {  	_ =	shalt  }
0x58: {  	_ =	shalt  }
0x59: {  	_ =	shalt  }
0x5a: {  	_ =	shalt  }
0x5b: {  	_ =	shalt  }
0x5c: {  	_ =	shalt  }
0x5d: {  	_ =	shalt  }
0x5e: {  	_ =	shalt  }
0x5f: {  	_ =	shalt  }
0x60: {  	_ =	shalt  }
0x61: {  	_ =	shalt  }
0x62: {  	_ =	shalt  }
0x63: {  	_ =	shalt  }
0x64: {  	_ =	shalt  }
0x65: {  	_ =	shalt  }
0x66: {  	_ =	shalt  }
0x67: {  	_ =	shalt  }
0x68: {  	_ =	shalt  }
0x69: {  	_ =	shalt  }
0x6a: {  	_ =	shalt  }
0x6b: {  	_ =	shalt  }
0x6c: {  	_ =	shalt  }
0x6d: {  	_ =	shalt  }
0x6e: {  	_ =	shalt  }
0x6f: {  	_ =	shalt  }
0x70: {  	_ =	shalt  }
0x71: {  	_ =	shalt  }
0x72: {  	_ =	shalt  }
0x73: {  	_ =	shalt  }
0x74: {  	_ =	shalt  }
0x75: {  	_ =	shalt  }
0x76: {  	_ =	shalt  }
0x77: {  	_ =	shalt  }
0x78: {  	_ =	shalt  }
0x79: {  	_ =	shalt  }
0x7a: {  	_ =	shalt  }
0x7b: {  	_ =	shalt  }
0x7c: {  	_ =	shalt  }
0x7d: {  	_ =	shalt  }
0x7e: {  	_ =	shalt  }
0x7f: {  	_ =	shalt  }
0x80: {  	_ =	shalt  }
0x81: {  	_ =	shalt  }
0x82: {  	_ =	shalt  }
0x83: {  	_ =	shalt  }
0x84: {  	_ =	shalt  }
0x85: {  	_ =	shalt  }
0x86: {  	_ =	shalt  }
0x87: {  	_ =	shalt  }
.Lfunc_end0:
.L_simem_size_0:
called_computation.2_lowered:
.L_overlay_start_0:
0x88: {  	s2 =	sld [smem:$0x3FD9]  }
0x89: {  	s3 =	sld [smem:$0x3FFE];
	_ =	sdelay $0x1  }
0x8a: {  	s1 =	srdreg.scid  }
0x8b: {  	s0 =	sand.u32 $0x1, s1  }
0x8c: {  	s16 =	sshll.u32 s0, $0xA;
	s2 =	sadd.s32 s3, s2  }
0x8d: {  	s2 =	sadd.s32 s2, s16  }
0x8e: {  	[smem:$0x3FBF] =	sst s2  }
0x8f: {  	_ = 	snop  }
0x90: {  	(tm) =	ssettm $0x1  }
0x91: {  	s17 =	sld [smem:$0x3FFB];
	_ =	sdelay $0x3  }
0x92: {  	_ =	strace s17  }
0x93: {  	s2 =	sld [smem:$0x3FFC];
	_ =	sdelay $0x3  }
0x94: {  	_ =	strace s2  }
0x95: {  	s2 =	sld [smem:$0x3FFD];
	_ =	sdelay $0x3  }
0x96: {  	_ =	strace s2  }
0x97: {  	_ =	strace $0x8FFFFFFF  }
0x98: {  	s18 =	sld [smem:$0x3FDB];
	_ =	sdelay $0x1  }
0x99: {  	s19 =	simm.s32 $_scs_section_size  }
0x9a: {  	s4 =	simm.s32 $_size__tile_overlayer_lowered;
	s5 =	simm.s32 $_tile_overlayer_lowered  }
0x9b: {  	s22 =	simm.s32 $0x1BFF;
	s21 =	sshll.u32 s5, $0x1;
	s2 =	sadd.s32 s19, s18  }
0x9c: {  	s6 =	simm.s32 $0x0;
	s20 =	sshll.u32 s4, $0x1;
	s4 =	sadd.s32 s21, s2  }
0x9d: {  	[timem:s6], [sflag:s22] =	dma.local [hbm:s4], s20  }
0x9e: {  	_ =	swait.ge [sflag:s22], s20  }
0x9f: {  	s3 =	ssub.s32 $0x0, s20;
	[sflag:s22] =	ssyncset.done $0x0  }
0xa0: {  	[sflag:s22] =	ssyncadd.s32 s3;
	_ =	sdelay $0x1  }
0xa1: {  	s23 =	simm.s32 $0x1B8B  }
0xa2: {  	_ =	swait.ge [sflag:s23], $0x1  }
0xa3: {  	[sflag:s23] =	ssyncset.done $0x0  }
0xa4: {  	s25 =	simm.s32 $0x1B8E;
	s24 =	sld [smem:$0x3FFE];
	[sflag:s23] =	ssyncadd.s32 $0xFFFFFFFF  }
0xa5: {  	s26 =	simm.s32 $execute0_lowered;
	[smem:$0x3FD2] =	sst s25  }
0xa6: {  	s4 =	sshll.u32 s26, $0x1;
	_ =	strace $0x8000004C;
	[dreg:$0x1] =	wrdreg $0xFFFFFFFF  }
0xa7: {  	s28 =	simm.s32 $_size_execute0_lowered;
	s2 =	sadd.s32 s2, s4;
	[dreg:$0x0] =	wrdreg $0x0  }
0xa8: {  	s4 =	sshll.u32 s28, $0x1;
	[dreg:$0x2] =	wrdreg s2  }
0xa9: {  	[dreg:$0x3] =	wrdreg s4  }
0xaa: {  	[dreg:$0x4] =	wrdreg $0xC0  }
0xab: {  	_ =	task [dreg:s6], $0x5FFFF  }
0xac: {  	[dreg:$0x1] =	wrdreg $0xFFFFFFFF  }
0xad: {  	[dreg:$0x0] =	wrdreg $0x60  }
0xae: {  	[dreg:$0x2] =	wrdreg s24  }
0xaf: {  	[dreg:$0x3] =	wrdreg $0x41000  }
0xb0: {  	[dreg:$0x4] =	wrdreg $0x9  }
0xb1: {  	_ =	task.clear_ibuf [dreg:s6], $0x5FFFF;
	_ =	strace $0x9000004C  }
0xb2: {  	s29 =	simm.s32 $0x9;
	_ =	strace $0x8000004E  }
0xb3: {  	_ =	swait.ge [sflag:s29], $0x1  }
0xb4: {  	[sflag:s29] =	ssyncadd.s32 $0xFFFFFFFF  }
0xb5: {  	_ =	strace $0x9000004E  }
0xb6: {  	_ =	sfence  }
0xb7: {  	s30 =	sld [smem:$0x0];
	_ =	sdelay $0x2  }
0xb8: {  	s31 =	sshll.u32 s1, $0xD;
	s1 =	sshrl.u32 s1, $0x2  }
0xb9: {  	s3 =	sand.u32 $0x4000, s31;
	s1 =	sadd.s32 s1, s30  }
0xba: {  	s0 =	sor.u32 s3, s0;
	s1 =	sshll.u32 s1, $0x11  }
0xbb: {  	s0 =	sor.u32 s1, s0  }
0xbc: {  	s0 =	sadd.s32 $0x8F2B, s0  }
0xbd: {  	[sflag:s0] =	ssyncadd.remote.s32 $0x1  }
0xbe: {  	_ =	sfence.sel $0xFFFF  }
0xbf: {  	[dreg:$0x0] =	wrdreg $0xFFFFFFFF;
	(pc) =	sbr.abs _section_cstart, $3  }
0xc0: {  	[dreg:$0x1] =	wrdreg $0xFFFFFFFF  }
0xc1: {  	_ =	task.clear_ibuf [dreg:s6], $0x2FFFF;
	_ =	strace $0x9FFFFFFF  }
0xc2: {  	(tm) =	ssettm $0x7FFFFFFF  }
0xc3: {  	_ =	shalt  }
tec
execute0_lowered:
.L_overlay_start_1:
0x0: {  	(tag) =	ssettag $0x1  }
0x1: {  	s6 =	rddreg [dreg:$0x0];
	s0 =	srdreg.scid  }
0x2: {  	s2 =	rddreg [dreg:$0x1];
	s1 =	stileid.u32;
	s3 =	simm.s32 $0x0  }
0x3: {  	s14 =	simm.s32 $0x100;
	s15 =	simm.s32 $0x1;
	s8 =	smul.u32 $0x14000, s1  }
0x4: {  	s7 =	sand.u32 $0x1, s0;
	s0 =	rddreg [dreg:$0x2];
	s9 =	smul.u32 $0x9E0, s1  }
0x5: {  	s16 =	simm.s32 $0x0;
	[smem:$0x7FF] =	sst s3;
	s10 =	smul.u32 $0x50000, s1  }
0x6: {  	s4 =	sadd.s32 $0xEE00, s6;
	s30 =	sshll.u32 s1, $0x6;
	s5 =	smul.u32 $0x140000, s7  }
0x7: {  	_ =	strace $0x8000004D;
	s29 =	ssub.s32 $0x2, s7;
	s12 =	smul.u32 $0x4F0, s7  }
0x8: {  	s26 =	sadd.s32 s9, s6;
	s11 =	sshrl.u32 s29, $0x1;
	s10 =	sshrl.u32 s10, $0x2  }
0x9: {  	s5 =	sadd.s32 s8, s5;
	s11 =	ssub.s32 s29, s11;
	s13 =	sadd.s32 s10, s2  }
0xa: {  	s31 =	sadd.s32 s12, s26;
	s12 =	simm.s32 $0x2;
	s28 =	sshrl.u32 s5, $0x3  }
0xb: {  	s5 =	sadd.s32 $0xC600, s6;
	s8 =	smax.u32 s11, $0x1;
	s10 =	sadd.s32 $0x69400, s31  }
0xc: {  	s11 =	sshrl.u32 s13, $0x3;
	s13 =	simm.s32 $0x80;
	s9 =	sadd.s32 s28, s6  }
0xd: {  	s6 =	sor.u32 $0x1C02, s30;
	s7 =	sadd.s32 $0x73200, s9;
	s9 =	sadd.s32 $0x5F600, s31  }
.LBB2_1:
0xe: {  	[spmem:s11], [sflag:s6] =	dma.local [hbm:s5], $0x2800  }
0xf: {  	_ =	swait.ge [sflag:s12], $0x2800  }
0x10: {  	[sflag:s12] =	ssyncset.done $0x0  }
0x11: {  	[sflag:s12] =	ssyncadd.s32 $0xFFFFD800  }
0x12: {  	s17 =	sadd.s32 $0x0, s10;
	[bflag:$0x0] =	sbarrier.arrive $0xFFFF  }
0x13: {  	[tilespmem:s3], [sflag:$0x2] =	stream.linear.gather [hbm4b:s17+s3], $0x80, $0x38;
	[tilespmem:$0x18100] =	vst v63  }
0x14: {  	_ =	swait.ge [sflag:s12], $0x80  }
0x15: {  	[sflag:s12] =	ssyncset.done $0x0  }
0x16: {  	s31 =	sadd.s32 $0x0, s9;
	[sflag:s12] =	ssyncadd.s32 $0xFFFFFF80  }
0x17: {  	[tilespmem:s13], [sflag:$0x2] =	stream.linear.gather [hbm4b:s31+s3], $0x80, $0x38;
	[tilespmem:$0x18100] =	vst v63  }
0x18: {  	_ =	swait.ge [sflag:s12], $0x80  }
0x19: {  	[sflag:s12] =	ssyncset.done $0x0  }
0x1a: {  	[sflag:s12] =	ssyncadd.s32 $0xFFFFFF80  }
0x1b: {  	[tilespmem:s14], [sflag:$0x1] =	stream.indirect.gather [hbm4b:s4+s13], $0x80, s3, s13, $0xb8;
	[tilespmem:$0x18100] =	vst v63  }
0x1c: {  	_ =	swait.ge [sflag:s15], $0x4000  }
0x1d: {  	[sflag:s15] =	ssyncset.done $0x0  }
0x1e: {  	[sflag:s15] =	ssyncadd.s32 $0xFFFFC000  }
0x1f: {  	[spmem:s2] =	stream.indirect.scatter.add.f32 [tilespmem:s14], [sflag:$0x2], $0x80, s13, s13, $0xb8;
	[tilespmem:$0x18100] =	vst v63  }
0x20: {  	_ =	swait.ge [sflag:s12], $0x4000  }
0x21: {  	s18 =	simm.s32 $0x20;
	s17 =	simm.s32 $0x10;
	[sflag:s12] =	ssyncset.done $0x0  }
.LBB2_2:
0x22: {  	s19 =	sadd.s32 s17, s10  }
0x23: {  	[sflag:s12] =	ssyncadd.s32 $0xFFFFC000;
	s20 =	smov.u32 s18;
	s21 =	sadd.s32 $0x10, s18  }
0x24: {  	[tilespmem:s3], [sflag:$0x2] =	stream.linear.gather [hbm4b:s19+s3], $0x80, $0x38;
	[tilespmem:$0x18100] =	vst v63  }
0x25: {  	p0 =	sne.s32 s18, $0x4E0;
	_ =	swait.ge [sflag:s12], $0x80  }
0x26: {  	[sflag:s12] =	ssyncset.done $0x0  }
0x27: {  	s18 =	sadd.s32 s17, s9;
	s17 =	smov.u32 s20;
	[sflag:s12] =	ssyncadd.s32 $0xFFFFFF80  }
0x28: {  	[tilespmem:s13], [sflag:$0x2] =	stream.linear.gather [hbm4b:s18+s3], $0x80, $0x38;
	[tilespmem:$0x18100] =	vst v63  }
0x29: {  	_ =	swait.ge [sflag:s12], $0x80  }
0x2a: {  	[sflag:s12] =	ssyncset.done $0x0  }
0x2b: {  	[sflag:s12] =	ssyncadd.s32 $0xFFFFFF80  }
0x2c: {  	[tilespmem:s14], [sflag:$0x1] =	stream.indirect.gather [hbm4b:s4+s13], $0x80, s3, s13, $0xb8;
	[tilespmem:$0x18100] =	vst v63  }
0x2d: {  	_ =	swait.ge [sflag:s15], $0x4000  }
.Ltmp0:
0x2e: {  	[sflag:s15] =	ssyncset.done $0x0;
	(pc) =	sbr.rel @p0 .LBB2_2-.Ltmp0, $4  }
0x2f: {  	[sflag:s15] =	ssyncadd.s32 $0xFFFFC000  }
0x30: {  	[spmem:s2] =	stream.indirect.scatter.add.f32 [tilespmem:s14], [sflag:$0x2], $0x80, s13, s13, $0xb8;
	[tilespmem:$0x18100] =	vst v63  }
0x31: {  	_ =	swait.ge [sflag:s12], $0x4000  }
0x32: {  	s18 =	smov.u32 s21;
	[sflag:s12] =	ssyncset.done $0x0  }
0x33: {  	s18 =	sadd.s32 s17, s10;
	[sflag:s12] =	ssyncadd.s32 $0xFFFFC000  }
0x34: {  	[tilespmem:s3], [sflag:$0x2] =	stream.linear.gather [hbm4b:s18+s3], $0x80, $0x38;
	[tilespmem:$0x18100] =	vst v63  }
0x35: {  	_ =	swait.ge [sflag:s12], $0x80  }
0x36: {  	[sflag:s12] =	ssyncset.done $0x0  }
0x37: {  	s31 =	sadd.s32 s17, s9;
	[sflag:s12] =	ssyncadd.s32 $0xFFFFFF80  }
0x38: {  	[tilespmem:s13], [sflag:$0x2] =	stream.linear.gather [hbm4b:s31+s3], $0x80, $0x38;
	[tilespmem:$0x18100] =	vst v63  }
0x39: {  	_ =	swait.ge [sflag:s12], $0x80  }
0x3a: {  	[sflag:s12] =	ssyncset.done $0x0  }
0x3b: {  	[sflag:s12] =	ssyncadd.s32 $0xFFFFFF80  }
0x3c: {  	[tilespmem:s14], [sflag:$0x1] =	stream.indirect.gather [hbm4b:s4+s13], $0x80, s3, s13, $0xb8;
	[tilespmem:$0x18100] =	vst v63  }
0x3d: {  	_ =	swait.ge [sflag:s15], $0x4000  }
0x3e: {  	[sflag:s15] =	ssyncset.done $0x0  }
0x3f: {  	[sflag:s15] =	ssyncadd.s32 $0xFFFFC000  }
0x40: {  	[spmem:s2] =	stream.indirect.scatter.add.f32 [tilespmem:s14], [sflag:$0x2], $0x80, s13, s13, $0xb8;
	[tilespmem:$0x18100] =	vst v63  }
0x41: {  	_ =	swait.ge [sflag:s12], $0x4000  }
0x42: {  	s16 =	sadd.s32 $0x1, s16;
	[sflag:s12] =	ssyncset.done $0x0  }
0x43: {  	p0 =	sne.s32 s16, s8;
	[sflag:s12] =	ssyncadd.s32 $0xFFFFC000  }
.Ltmp1:
0x44: {  	[bflag:$0x0] =	sbarrier.arrive $0xFFFF;
	(pc) =	sbr.rel @p0 .LBB2_1-.Ltmp1, $4  }
0x45: {  	[hbm:s7], [sflag:s6] =	dma.local [spmem:s11], $0x2800  }
0x46: {  	_ =	swait.ge [sflag:s12], $0x2800  }
0x47: {  	[sflag:s12] =	ssyncset.done $0x0  }
0x48: {  	[sflag:s12] =	ssyncadd.s32 $0xFFFFD800  }
0x49: {  	_ =	sfence.sel $0x180000  }
0x4a: {  	[bflag:$0x0] =	sbarrier.arrive $0xFFFF  }
0x4b: {  	p0 =	sne.s32 s1, $0x0;
	_ =	strace $0x9000004D  }
0x4c: {  	s0 =	sadd.s32 @!p0 $0x100000, s0;
	[bflag:$0x2] =	sbarrier.arrive $0xFFFF  }
0x4d: {  	[sflag:s0] =	ssyncadd.tile.s32 @!p0 $0x1;
	_ =	shalt  }
.Lfunc_end2:
_tile_overlayer_lowered:
.L_overlay_start_2:
0x4e: {  	(tag) =	ssettag $0x2  }
0x4f: {  	s0 =	rddreg [dreg:$0x0];
	s2 =	stileid.u32  }
0x50: {  	s1 =	rddreg [dreg:$0x1];
	p0 =	sne.s32 s2, $0x0  }
0x51: {  	s3 =	rddreg [dreg:$0x2];
	[bflag:$0x3] =	sbarrier.arrive $0xFFFF;
	s2 =	simm.s32 @!p0 $0x1C02  }
0x52: {  	[timem:s3], [sflag:s2] =	dma.local @!p0 [hbm:s0], s1  }
0x53: {  	s0 =	simm.s32 @!p0 $0x2  }
0x54: {  	_ =	swait.ge @!p0 [sflag:s0], s1  }
0x55: {  	s1 =	ssub.s32 @!p0 $0x0, s1;
	[sflag:s0] =	ssyncset.done @!p0 $0x0  }
0x56: {  	[sflag:s0] =	ssyncadd.s32 @!p0 s1  }
0x57: {  	[bflag:$0x3] =	sbarrier.arrive $0xFFFF  }
0x58: {  	_ =	shalt  }

// kernel: kernel.9.cloned.1.call-start
scs
__scs_entry_jumppad:
0x0: {  	(pc) =	sbr.rel $0x88, $3  }
0x1: {  	(tag) =	ssettag $0x0;
	lr =	simm.s32 $0x1  }
0x2: {  	[smem:$0x3F98] =	sst lr;
	_ =	strace $0xD0000000  }
0x3: {  	_ = 	snop  }
0x4: {  	_ = 	snop  }
0x5: {  	_ = 	snop  }
0x6: {  	_ = 	snop  }
0x7: {  	_ = 	snop  }
__scs_overlays_trampoline_lowered:
0x8: {  	[smem:$0x3FA7] =	sst s0  }
0x9: {  	[smem:$0x3FA8] =	sst s1  }
0xa: {  	[smem:$0x3FA9] =	sst s2  }
0xb: {  	[smem:$0x3FAA] =	sst s3  }
0xc: {  	[smem:$0x3FAB] =	sst s4  }
0xd: {  	[smem:$0x3FAC] =	sst s5  }
0xe: {  	[smem:$0x3FAD] =	sst s6  }
0xf: {  	[smem:$0x3FAE] =	sst s7  }
0x10: {  	[smem:$0x3FAF] =	sst s8  }
0x11: {  	[smem:$0x3FB0] =	sst s9;
	s0 =	simm.s32 @!p0 $0x0  }
0x12: {  	s1 =	sld [smem:$0x3F96];
	s0 =	simm.s32 @p0 $0x1  }
0x13: {  	[smem:$0x3FB1] =	sst s0;
	s0 =	simm.s32 @!p1 $0x0  }
0x14: {  	s2 =	sld [smem:$0x3F95];
	s0 =	simm.s32 @p1 $0x1  }
0x15: {  	[smem:$0x3FB2] =	sst s0;
	s0 =	simm.s32 @!p2 $0x0  }
0x16: {  	s3 =	sld [smem:$0x3FDB];
	s0 =	simm.s32 @p2 $0x1  }
0x17: {  	s4 =	simm.s32 $0x1BF5;
	[smem:$0x3FB4] =	sst s0  }
0x18: {  	s0 =	sld [smem:$0x3F97];
	_ =	swait.ge [sflag:s4], $0x0  }
0x19: {  	s7 =	sld [smem:$0x3F98]  }
0x1a: {  	s8 =	sadd.s32 $0xFFFFE003, lr  }
0x1b: {  	s9 =	sadd.s32 $0xFFFFFEF7, lr;
	s5 =	simm.s32 $0xFFFFFFFF;
	p2 =	slt.u32 s8, $0xFFFFF086  }
0x1c: {  	p1 =	slt.u32 s9, $0xF7A;
	s5 =	simm.s32 @!p2 $0x0  }
0x1d: {  	s5 =	simm.s32 @p1 $0x1;
	p0 =	seq.s32 s7, s2  }
0x1e: {  	s7 =	smul.u32 @!p0 $0xF7A, s2;
	p2 =	seq.s32 @!p0 s5, $0x0  }
0x1f: {  	s9 =	smul.u32 $0xF7A, s1;
	s8 =	simm.s32 @!p0 $0x1BF5;
	p2 =	por !p2, p0  }
0x20: {  	[sflag:s8] =	ssyncset.s32 @!p0 $0xFFFFF086;
	s6 =	sadd.s32 @!p0 s3, s7;
	s7 =	simm.s32 @!p0 $0x108  }
0x21: {  	s3 =	sadd.s32 s3, s9;
	s6 =	sadd.s32 @!p0 $0x88, s6;
	s7 =	simm.s32 @p2 $0x1082  }
0x22: {  	[simem:s7], [sflag:s8] =	dma.local @!p0 [hbm:s6], $0xF7A  }
0x23: {  	s9 =	sor.u32 $0xD0000000, s2;
	s6 =	simm.s32 $0x108;
	_ =	swait.ge @!p0 [sflag:s8], $0x0  }
0x24: {  	s3 =	sadd.s32 $0x88, s3;
	s6 =	simm.s32 @!p1 $0x1082;
	[sflag:s4] =	ssyncset.s32 $0xFFFFF086  }
0x25: {  	[simem:s6], [sflag:s4] =	dma.local [hbm:s3], $0xF7A  }
0x26: {  	[smem:$0x3F98] =	sst s1;
	(tag) =	ssettag s2;
	_ =	strace s9  }
0x27: {  	s1 =	sld [smem:$0x3FA8]  }
0x28: {  	s2 =	sld [smem:$0x3FA9]  }
0x29: {  	s4 =	sld [smem:$0x3FAB]  }
0x2a: {  	p0 =	seq.s32 s5, $0x0;
	s5 =	sld [smem:$0x3FAC]  }
0x2b: {  	s6 =	sld [smem:$0x3FAD]  }
0x2c: {  	s7 =	sld [smem:$0x3FAE]  }
0x2d: {  	s3 =	simm.s32 $0x108;
	s8 =	sld [smem:$0x3FAF]  }
0x2e: {  	s3 =	simm.s32 @!p0 $0x1082;
	s9 =	sld [smem:$0x3FB0]  }
0x2f: {  	lr =	sadd.s32 s0, s3;
	s0 =	sld [smem:$0x3FA7]  }
0x30: {  	s3 =	sld [smem:$0x3FAA]  }
0x31: {  	[smem:$0x3FB3] =	sst s10  }
0x32: {  	s10 =	sld [smem:$0x3FB1];
	_ =	sdelay $0x3  }
0x33: {  	p0 =	seq.s32 s10, $0x1;
	s10 =	sld [smem:$0x3FB3];
	_ =	sdelay $0x3  }
0x34: {  	[smem:$0x3FB3] =	sst s10  }
0x35: {  	s10 =	sld [smem:$0x3FB2];
	_ =	sdelay $0x3  }
0x36: {  	p1 =	seq.s32 s10, $0x1;
	s10 =	sld [smem:$0x3FB3];
	_ =	sdelay $0x3  }
0x37: {  	[smem:$0x3FB3] =	sst s10  }
0x38: {  	s10 =	sld [smem:$0x3FB4]  }
0x39: {  	_ = 	snop;
	(pc) =	sbr.ind lr, $3  }
0x3a: {  	_ = 	snop  }
0x3b: {  	_ = 	snop  }
0x3c: {  	p2 =	seq.s32 s10, $0x1;
	s10 =	sld [smem:$0x3FB3]  }
0x3d: {  	_ =	shalt  }
0x3e: {  	_ =	shalt  }
0x3f: {  	_ =	shalt  }
0x40: {  	_ =	shalt  }
0x41: {  	_ =	shalt  }
0x42: {  	_ =	shalt  }
0x43: {  	_ =	shalt  }
0x44: {  	_ =	shalt  }
0x45: {  	_ =	shalt  }
0x46: {  	_ =	shalt  }
0x47: {  	_ =	shalt  }
0x48: {  	_ =	shalt  }
0x49: {  	_ =	shalt  }
0x4a: {  	_ =	shalt  }
0x4b: {  	_ =	shalt  }
0x4c: {  	_ =	shalt  }
0x4d: {  	_ =	shalt  }
0x4e: {  	_ =	shalt  }
0x4f: {  	_ =	shalt  }
0x50: {  	_ =	shalt  }
0x51: {  	_ =	shalt  }
0x52: {  	_ =	shalt  }
0x53: {  	_ =	shalt  }
0x54: {  	_ =	shalt  }
0x55: {  	_ =	shalt  }
0x56: {  	_ =	shalt  }
0x57: {  	_ =	shalt  }
0x58: {  	_ =	shalt  }
0x59: {  	_ =	shalt  }
0x5a: {  	_ =	shalt  }
0x5b: {  	_ =	shalt  }
0x5c: {  	_ =	shalt  }
0x5d: {  	_ =	shalt  }
0x5e: {  	_ =	shalt  }
0x5f: {  	_ =	shalt  }
0x60: {  	_ =	shalt  }
0x61: {  	_ =	shalt  }
0x62: {  	_ =	shalt  }
0x63: {  	_ =	shalt  }
0x64: {  	_ =	shalt  }
0x65: {  	_ =	shalt  }
0x66: {  	_ =	shalt  }
0x67: {  	_ =	shalt  }
0x68: {  	_ =	shalt  }
0x69: {  	_ =	shalt  }
0x6a: {  	_ =	shalt  }
0x6b: {  	_ =	shalt  }
0x6c: {  	_ =	shalt  }
0x6d: {  	_ =	shalt  }
0x6e: {  	_ =	shalt  }
0x6f: {  	_ =	shalt  }
0x70: {  	_ =	shalt  }
0x71: {  	_ =	shalt  }
0x72: {  	_ =	shalt  }
0x73: {  	_ =	shalt  }
0x74: {  	_ =	shalt  }
0x75: {  	_ =	shalt  }
0x76: {  	_ =	shalt  }
0x77: {  	_ =	shalt  }
0x78: {  	_ =	shalt  }
0x79: {  	_ =	shalt  }
0x7a: {  	_ =	shalt  }
0x7b: {  	_ =	shalt  }
0x7c: {  	_ =	shalt  }
0x7d: {  	_ =	shalt  }
0x7e: {  	_ =	shalt  }
0x7f: {  	_ =	shalt  }
0x80: {  	_ =	shalt  }
0x81: {  	_ =	shalt  }
0x82: {  	_ =	shalt  }
0x83: {  	_ =	shalt  }
0x84: {  	_ =	shalt  }
0x85: {  	_ =	shalt  }
0x86: {  	_ =	shalt  }
0x87: {  	_ =	shalt  }
.Lfunc_end0:
.L_simem_size_0:
called_computation_lowered:
.L_overlay_start_0:
0x88: {  	s2 =	sld [smem:$0x3FD9]  }
0x89: {  	s3 =	sld [smem:$0x3FFE];
	_ =	sdelay $0x1  }
0x8a: {  	s1 =	srdreg.scid  }
0x8b: {  	s0 =	sand.u32 $0x1, s1  }
0x8c: {  	s16 =	sshll.u32 s0, $0xA;
	s2 =	sadd.s32 s3, s2  }
0x8d: {  	s2 =	sadd.s32 s2, s16  }
0x8e: {  	[smem:$0x3FBF] =	sst s2  }
0x8f: {  	_ = 	snop  }
0x90: {  	(tm) =	ssettm $0x1  }
0x91: {  	s17 =	sld [smem:$0x3FFB];
	_ =	sdelay $0x3  }
0x92: {  	_ =	strace s17  }
0x93: {  	s2 =	sld [smem:$0x3FFC];
	_ =	sdelay $0x3  }
0x94: {  	_ =	strace s2  }
0x95: {  	s2 =	sld [smem:$0x3FFD];
	_ =	sdelay $0x3  }
0x96: {  	_ =	strace s2  }
0x97: {  	_ =	strace $0x8FFFFFFF  }
0x98: {  	s18 =	sld [smem:$0x3FDB];
	_ =	sdelay $0x1  }
0x99: {  	s19 =	simm.s32 $_scs_section_size  }
0x9a: {  	s4 =	simm.s32 $_size__tile_overlayer_lowered;
	s5 =	simm.s32 $_tile_overlayer_lowered  }
0x9b: {  	s22 =	simm.s32 $0x1BFF;
	s21 =	sshll.u32 s5, $0x1;
	s2 =	sadd.s32 s19, s18  }
0x9c: {  	s6 =	simm.s32 $0x0;
	s20 =	sshll.u32 s4, $0x1;
	s4 =	sadd.s32 s21, s2  }
0x9d: {  	[timem:s6], [sflag:s22] =	dma.local [hbm:s4], s20  }
0x9e: {  	_ =	swait.ge [sflag:s22], s20  }
0x9f: {  	s3 =	ssub.s32 $0x0, s20;
	[sflag:s22] =	ssyncset.done $0x0  }
0xa0: {  	[sflag:s22] =	ssyncadd.s32 s3;
	_ =	sdelay $0x1  }
0xa1: {  	s23 =	simm.s32 $0x1B8B  }
0xa2: {  	_ =	swait.ge [sflag:s23], $0x1  }
0xa3: {  	[sflag:s23] =	ssyncset.done $0x0  }
0xa4: {  	s25 =	simm.s32 $0x1B8E;
	s24 =	sld [smem:$0x3FFE];
	[sflag:s23] =	ssyncadd.s32 $0xFFFFFFFF  }
0xa5: {  	s26 =	simm.s32 $execute0_lowered;
	[smem:$0x3FD2] =	sst s25  }
0xa6: {  	s4 =	sshll.u32 s26, $0x1;
	_ =	strace $0x80000046;
	[dreg:$0x1] =	wrdreg $0xFFFFFFFF  }
0xa7: {  	s28 =	simm.s32 $_size_execute0_lowered;
	s2 =	sadd.s32 s2, s4;
	[dreg:$0x0] =	wrdreg $0x0  }
0xa8: {  	s4 =	sshll.u32 s28, $0x1;
	[dreg:$0x2] =	wrdreg s2  }
0xa9: {  	[dreg:$0x3] =	wrdreg s4  }
0xaa: {  	[dreg:$0x4] =	wrdreg $0xC0  }
0xab: {  	_ =	task [dreg:s6], $0x5FFFF  }
0xac: {  	[dreg:$0x1] =	wrdreg $0xFFFFFFFF  }
0xad: {  	[dreg:$0x0] =	wrdreg $0x60  }
0xae: {  	[dreg:$0x2] =	wrdreg s24  }
0xaf: {  	[dreg:$0x3] =	wrdreg $0x68000  }
0xb0: {  	[dreg:$0x4] =	wrdreg $0x9  }
0xb1: {  	_ =	task.clear_ibuf [dreg:s6], $0x5FFFF;
	_ =	strace $0x90000046  }
0xb2: {  	s29 =	simm.s32 $0x9;
	_ =	strace $0x80000048  }
0xb3: {  	_ =	swait.ge [sflag:s29], $0x1  }
0xb4: {  	[sflag:s29] =	ssyncadd.s32 $0xFFFFFFFF  }
0xb5: {  	_ =	strace $0x90000048  }
0xb6: {  	_ =	sfence  }
0xb7: {  	s30 =	sld [smem:$0x0];
	_ =	sdelay $0x2  }
0xb8: {  	s31 =	sshll.u32 s1, $0xD;
	s1 =	sshrl.u32 s1, $0x2  }
0xb9: {  	s3 =	sand.u32 $0x4000, s31;
	s1 =	sadd.s32 s1, s30  }
0xba: {  	s0 =	sor.u32 s3, s0;
	s1 =	sshll.u32 s1, $0x11  }
0xbb: {  	s0 =	sor.u32 s1, s0  }
0xbc: {  	s0 =	sadd.s32 $0x8F2B, s0  }
0xbd: {  	[sflag:s0] =	ssyncadd.remote.s32 $0x1  }
0xbe: {  	_ =	sfence.sel $0xFFFF  }
0xbf: {  	[dreg:$0x0] =	wrdreg $0xFFFFFFFF;
	(pc) =	sbr.abs _section_cstart, $3  }
0xc0: {  	[dreg:$0x1] =	wrdreg $0xFFFFFFFF  }
0xc1: {  	_ =	task.clear_ibuf [dreg:s6], $0x2FFFF;
	_ =	strace $0x9FFFFFFF  }
0xc2: {  	(tm) =	ssettm $0x7FFFFFFF  }
0xc3: {  	_ =	shalt  }
tec
execute0_lowered:
.L_overlay_start_1:
0x0: {  	(tag) =	ssettag $0x1  }
0x1: {  	s1 =	srdreg.scid;
	s7 =	rddreg [dreg:$0x0]  }
0x2: {  	s0 =	stileid.u32;
	s2 =	rddreg [dreg:$0x1]  }
0x3: {  	s3 =	simm.s32 $0x0;
	s13 =	simm.s32 $0x80;
	s14 =	simm.s32 $0x1  }
0x4: {  	s15 =	simm.s32 $0x0;
	s6 =	sand.u32 $0x1, s1;
	s8 =	smul.u32 $0x14000, s0  }
0x5: {  	s30 =	sshll.u32 s0, $0x1;
	[smem:$0x7FF] =	sst s3;
	s10 =	smul.u32 $0x50000, s0  }
0x6: {  	s11 =	sshll.u32 s0, $0x6;
	s1 =	sor.u32 s6, s30;
	s5 =	smul.u32 $0x140000, s6  }
0x7: {  	s6 =	ssub.s32 $0x2, s6;
	s4 =	smul.u32 $0x500, s1;
	s1 =	rddreg [dreg:$0x2]  }
0x8: {  	_ =	strace $0x80000047;
	s31 =	sshrl.u32 s6, $0x1;
	s10 =	sshrl.u32 s10, $0x2  }
0x9: {  	s5 =	sadd.s32 s8, s5;
	s12 =	ssub.s32 s6, s31;
	s10 =	sadd.s32 s10, s2  }
0xa: {  	s6 =	sor.u32 $0x1C02, s11;
	s11 =	simm.s32 $0x2;
	s9 =	sadd.s32 s4, s7  }
0xb: {  	s4 =	sadd.s32 $0xEE00, s7;
	s8 =	sshrl.u32 s5, $0x3;
	s5 =	sadd.s32 $0xC600, s7  }
0xc: {  	s10 =	sshrl.u32 s10, $0x3;
	s8 =	sadd.s32 s8, s7;
	s7 =	sadd.s32 $0x2600, s9  }
0xd: {  	s9 =	smax.u32 s12, $0x1;
	s12 =	simm.s32 $0x2800;
	s8 =	sadd.s32 $0xF600, s8  }
.LBB2_1:
0xe: {  	[spmem:s10], [sflag:s6] =	dma.local [hbm:s5], $0x2800  }
0xf: {  	_ =	swait.ge [sflag:s11], $0x2800  }
0x10: {  	[sflag:s11] =	ssyncset.done $0x0  }
0x11: {  	[sflag:s11] =	ssyncadd.s32 $0xFFFFD800  }
0x12: {  	[tilespmem:s12], [sflag:$0x2] =	stream.linear.gather [hbm4b:s4+s3], $0x4000, $0x38;
	[tilespmem:$0x1A800] =	vst v63  }
0x13: {  	_ =	swait.ge [sflag:s11], $0x4000  }
0x14: {  	[sflag:s11] =	ssyncset.done $0x0  }
0x15: {  	[sflag:s11] =	ssyncadd.s32 $0xFFFFC000  }
0x16: {  	[tilespmem:s3], [sflag:$0x2] =	stream.linear.gather [hbm4b:s7+s3], $0x2800, $0x38;
	[tilespmem:$0x1A800] =	vst v63  }
0x17: {  	_ =	swait.ge [sflag:s11], $0x2800  }
0x18: {  	[sflag:s11] =	ssyncset.done $0x0  }
0x19: {  	[sflag:s11] =	ssyncadd.s32 $0xFFFFD800  }
0x1a: {  	s16 =	simm.s32 $0x0;
	[bflag:$0x0] =	sbarrier.arrive $0xFFFF  }
0x1b: {  	[spmem:s2] =	stream.indirect.scatter.add.f32 [tilespmem:s12], [sflag:$0x1], $0x80, s16, s13, $0xb8;
	[tilespmem:$0x1A800] =	vst v63  }
0x1c: {  	s29 =	simm.s32 $0x80  }
0x1d: {  	[spmem:s2] =	stream.indirect.scatter.add.f32 [tilespmem:s12], [sflag:$0x1], $0x80, s29, s13, $0xb8;
	[tilespmem:$0x1A800] =	vst v63  }
0x1e: {  	s30 =	simm.s32 $0x100  }
0x1f: {  	[spmem:s2] =	stream.indirect.scatter.add.f32 [tilespmem:s12], [sflag:$0x1], $0x80, s30, s13, $0xb8;
	[tilespmem:$0x1A800] =	vst v63  }
0x20: {  	s31 =	simm.s32 $0x180  }
0x21: {  	[spmem:s2] =	stream.indirect.scatter.add.f32 [tilespmem:s12], [sflag:$0x1], $0x80, s31, s13, $0xb8;
	[tilespmem:$0x1A800] =	vst v63  }
0x22: {  	_ =	swait.ge [sflag:s14], $0x4000  }
0x23: {  	[sflag:s14] =	ssyncset.done $0x0  }
0x24: {  	[sflag:s14] =	ssyncadd.s32 $0xFFFFC000  }
0x25: {  	_ =	swait.ge [sflag:s14], $0x4000  }
0x26: {  	[sflag:s14] =	ssyncset.done $0x0  }
0x27: {  	[sflag:s14] =	ssyncadd.s32 $0xFFFFC000  }
0x28: {  	_ =	swait.ge [sflag:s14], $0x4000  }
0x29: {  	[sflag:s14] =	ssyncset.done $0x0  }
0x2a: {  	[sflag:s14] =	ssyncadd.s32 $0xFFFFC000  }
0x2b: {  	_ =	swait.ge [sflag:s14], $0x4000  }
0x2c: {  	s17 =	simm.s32 $0x1000;
	s16 =	simm.s32 $0x800;
	[sflag:s14] =	ssyncset.done $0x0  }
.LBB2_2:
0x2d: {  	s18 =	sshra.s32 s16, $0x2  }
0x2e: {  	[sflag:s14] =	ssyncadd.s32 $0xFFFFC000;
	s16 =	smov.u32 s17;
	s19 =	sadd.s32 $0x800, s17  }
0x2f: {  	[spmem:s2] =	stream.indirect.scatter.add.f32 [tilespmem:s12], [sflag:$0x1], $0x80, s18, s13, $0xb8;
	[tilespmem:$0x1A800] =	vst v63  }
0x30: {  	p0 =	sne.s32 s17, $0x9800;
	s17 =	sadd.s32 $0x80, s18  }
0x31: {  	[spmem:s2] =	stream.indirect.scatter.add.f32 [tilespmem:s12], [sflag:$0x1], $0x80, s17, s13, $0xb8;
	[tilespmem:$0x1A800] =	vst v63  }
0x32: {  	s17 =	sadd.s32 $0x100, s18  }
0x33: {  	[spmem:s2] =	stream.indirect.scatter.add.f32 [tilespmem:s12], [sflag:$0x1], $0x80, s17, s13, $0xb8;
	[tilespmem:$0x1A800] =	vst v63  }
0x34: {  	s17 =	sadd.s32 $0x180, s18  }
0x35: {  	[spmem:s2] =	stream.indirect.scatter.add.f32 [tilespmem:s12], [sflag:$0x1], $0x80, s17, s13, $0xb8;
	[tilespmem:$0x1A800] =	vst v63  }
0x36: {  	_ =	swait.ge [sflag:s14], $0x4000  }
0x37: {  	[sflag:s14] =	ssyncset.done $0x0  }
0x38: {  	[sflag:s14] =	ssyncadd.s32 $0xFFFFC000  }
0x39: {  	_ =	swait.ge [sflag:s14], $0x4000  }
0x3a: {  	[sflag:s14] =	ssyncset.done $0x0  }
0x3b: {  	[sflag:s14] =	ssyncadd.s32 $0xFFFFC000  }
.Ltmp0:
0x3c: {  	_ =	swait.ge [sflag:s14], $0x4000;
	(pc) =	sbr.rel @p0 .LBB2_2-.Ltmp0, $4  }
0x3d: {  	[sflag:s14] =	ssyncset.done $0x0  }
0x3e: {  	[sflag:s14] =	ssyncadd.s32 $0xFFFFC000  }
0x3f: {  	_ =	swait.ge [sflag:s14], $0x4000  }
0x40: {  	s17 =	smov.u32 s19;
	[sflag:s14] =	ssyncset.done $0x0  }
0x41: {  	s16 =	sshra.s32 s16, $0x2;
	[sflag:s14] =	ssyncadd.s32 $0xFFFFC000  }
0x42: {  	[spmem:s2] =	stream.indirect.scatter.add.f32 [tilespmem:s12], [sflag:$0x1], $0x80, s16, s13, $0xb8;
	[tilespmem:$0x1A800] =	vst v63  }
0x43: {  	s17 =	sadd.s32 $0x80, s16  }
0x44: {  	[spmem:s2] =	stream.indirect.scatter.add.f32 [tilespmem:s12], [sflag:$0x1], $0x80, s17, s13, $0xb8;
	[tilespmem:$0x1A800] =	vst v63  }
0x45: {  	s31 =	sadd.s32 $0x100, s16  }
0x46: {  	[spmem:s2] =	stream.indirect.scatter.add.f32 [tilespmem:s12], [sflag:$0x1], $0x80, s31, s13, $0xb8;
	[tilespmem:$0x1A800] =	vst v63  }
0x47: {  	s16 =	sadd.s32 $0x180, s16  }
0x48: {  	[spmem:s2] =	stream.indirect.scatter.add.f32 [tilespmem:s12], [sflag:$0x1], $0x80, s16, s13, $0xb8;
	[tilespmem:$0x1A800] =	vst v63  }
0x49: {  	_ =	swait.ge [sflag:s14], $0x4000  }
0x4a: {  	[sflag:s14] =	ssyncset.done $0x0  }
0x4b: {  	[sflag:s14] =	ssyncadd.s32 $0xFFFFC000  }
0x4c: {  	_ =	swait.ge [sflag:s14], $0x4000  }
0x4d: {  	[sflag:s14] =	ssyncset.done $0x0  }
0x4e: {  	[sflag:s14] =	ssyncadd.s32 $0xFFFFC000  }
0x4f: {  	_ =	swait.ge [sflag:s14], $0x4000  }
0x50: {  	[sflag:s14] =	ssyncset.done $0x0  }
0x51: {  	[sflag:s14] =	ssyncadd.s32 $0xFFFFC000  }
0x52: {  	_ =	swait.ge [sflag:s14], $0x4000  }
0x53: {  	s15 =	sadd.s32 $0x1, s15;
	[sflag:s14] =	ssyncset.done $0x0  }
0x54: {  	p0 =	sne.s32 s15, s9;
	[sflag:s14] =	ssyncadd.s32 $0xFFFFC000  }
.Ltmp1:
0x55: {  	[bflag:$0x0] =	sbarrier.arrive $0xFFFF;
	(pc) =	sbr.rel @p0 .LBB2_1-.Ltmp1, $4  }
0x56: {  	[hbm:s8], [sflag:s6] =	dma.local [spmem:s10], $0x2800  }
0x57: {  	_ =	swait.ge [sflag:s11], $0x2800  }
0x58: {  	[sflag:s11] =	ssyncset.done $0x0  }
0x59: {  	[sflag:s11] =	ssyncadd.s32 $0xFFFFD800  }
0x5a: {  	_ =	sfence.sel $0x180000  }
0x5b: {  	[bflag:$0x0] =	sbarrier.arrive $0xFFFF  }
0x5c: {  	p0 =	sne.s32 s0, $0x0;
	_ =	strace $0x90000047  }
0x5d: {  	s0 =	sadd.s32 @!p0 $0x100000, s1;
	[bflag:$0x2] =	sbarrier.arrive $0xFFFF  }
0x5e: {  	[sflag:s0] =	ssyncadd.tile.s32 @!p0 $0x1;
	_ =	shalt  }
.Lfunc_end2:
_tile_overlayer_lowered:
.L_overlay_start_2:
0x5f: {  	(tag) =	ssettag $0x2  }
0x60: {  	s0 =	rddreg [dreg:$0x0];
	s2 =	stileid.u32  }
0x61: {  	s1 =	rddreg [dreg:$0x1];
	p0 =	sne.s32 s2, $0x0  }
0x62: {  	s3 =	rddreg [dreg:$0x2];
	[bflag:$0x3] =	sbarrier.arrive $0xFFFF;
	s2 =	simm.s32 @!p0 $0x1C02  }
0x63: {  	[timem:s3], [sflag:s2] =	dma.local @!p0 [hbm:s0], s1  }
0x64: {  	s0 =	simm.s32 @!p0 $0x2  }
0x65: {  	_ =	swait.ge @!p0 [sflag:s0], s1  }
0x66: {  	s1 =	ssub.s32 @!p0 $0x0, s1;
	[sflag:s0] =	ssyncset.done @!p0 $0x0  }
0x67: {  	[sflag:s0] =	ssyncadd.s32 @!p0 s1  }
0x68: {  	[bflag:$0x3] =	sbarrier.arrive $0xFFFF  }
0x69: {  	_ =	shalt  }

</sc_bundles>
